<compile_context>
chip_gen: v7x
topology: tpu7x:2x2x1
jax: 0.10.2.dev20260603
libtpu: 0.0.44.dev20260713+nightly
codegen_flags: <defaults>
</compile_context>

<pallas_src>
import functools

import jax
import jax.numpy as jnp
from jax import lax
from jax.experimental import pallas as pl
from jax.experimental.pallas import tpu as pltpu
from jax.experimental.pallas import tpu_sc as plsc

B_ = 1
S = 8192
D = 768
H = 3072
E = 64
C = 128
NC, NS, L = 2, 16, 16
TB = 512
ONE_F32_BITS = 0x3F800000



def _router_body(x_ref, wg_ref, probs_ref, thr_ref):
    i = pl.program_id(0)

    @pl.when(i < S // TB)
    def _():
        xb = x_ref[...]
        wg = wg_ref[...]
        logits = lax.dot_general(wg, xb, (((0,), (1,)), ((), ())),
                                 preferred_element_type=jnp.float32)
        m = jnp.max(logits, axis=0, keepdims=True)
        p = jnp.exp(logits - m)
        probs_ref[:, pl.ds(i * TB, TB)] = p / jnp.sum(p, axis=0, keepdims=True)

    @pl.when(i == S // TB)
    def _():
        bits = pltpu.bitcast(probs_ref[...], jnp.int32)

        def step(_, lohi):
            lo, hi = lohi
            mid = (lo + hi + 1) >> 1
            cnt = jnp.sum((bits >= mid).astype(jnp.int32), axis=1,
                          keepdims=True)
            ok = cnt >= C
            return jnp.where(ok, mid, lo), jnp.where(ok, hi, mid - 1)

        lo = jnp.zeros((E, 1), jnp.int32)
        hi = jnp.full((E, 1), ONE_F32_BITS, jnp.int32)
        lo, _ = lax.fori_loop(0, 31, step, (lo, hi))
        thr_ref[...] = pltpu.bitcast(jnp.broadcast_to(lo, (E, L)), jnp.float32)


def _router(x2d, Wg):
    return pl.pallas_call(
        _router_body,
        grid=(S // TB + 1,),
        in_specs=[
            pl.BlockSpec((TB, D), lambda i: (jnp.minimum(i, S // TB - 1), 0)),
            pl.BlockSpec((D, E), lambda i: (0, 0)),
        ],
        out_specs=[
            pl.BlockSpec((E, S), lambda i: (0, 0)),
            pl.BlockSpec((E, L), lambda i: (0, 0)),
        ],
        out_shape=[
            jax.ShapeDtypeStruct((E, S), jnp.float32),
            jax.ShapeDtypeStruct((E, L), jnp.float32),
        ],
    )(x2d, Wg)



def _select_gather(probsT, thr, x2d):
    mesh = plsc.VectorSubcoreMesh(core_axis_name="c", subcore_axis_name="s")
    rows_per_worker = E // (NC * NS)

    @functools.partial(
        pl.kernel,
        out_type=[
            jax.ShapeDtypeStruct((E, C), jnp.int32),
            jax.ShapeDtypeStruct((E, C), jnp.float32),
            jax.ShapeDtypeStruct((S, D), jnp.float32),
        ],
        mesh=mesh,
        compiler_params=pltpu.CompilerParams(needs_layout_passes=False),
        scratch_types=[
            pltpu.VMEM((S,), jnp.float32),
            pltpu.VMEM((L,), jnp.float32),
            pltpu.VMEM((C,), jnp.int32),
            pltpu.VMEM((C,), jnp.float32),
            pltpu.VMEM((C, D), jnp.float32),
            pltpu.VMEM((S // L,), jnp.int32),
            pltpu.VMEM((S // L,), jnp.int32),
            pltpu.VMEM((S // L,), jnp.int32),
        ],
    )
    def k(probs_hbm, thr_hbm, x_hbm, idx_out, sc_out, tok_out,
          pr_v, thr_v, idx_v, sc_v, rows_v, cnt_v, pfx_v, nz_v):
        wid = lax.axis_index("s") * NC + lax.axis_index("c")
        iota = lax.iota(jnp.int32, L)
        zero = jnp.zeros((L,), jnp.int32)
        lane0 = iota == 0
        for r in range(rows_per_worker):
            e = wid * rows_per_worker + r
            pltpu.sync_copy(probs_hbm.at[e], pr_v)
            pltpu.sync_copy(thr_hbm.at[e], thr_v)
            thr_vec = thr_v[...]

            def p1(j, _):
                v = pr_v[pl.ds(j * L, L)]
                cntv = plsc.all_reduce_population_count(v >= thr_vec)
                plsc.store_scatter(cnt_v, [zero + j], cntv, mask=lane0)
                return 0

            lax.fori_loop(0, S // L, p1, 0)

            def p2(jb, carry):
                off, nz = carry
                c16 = cnt_v[pl.ds(jb * L, L)]
                cum = plsc.cumsum(c16)
                pfx_v[pl.ds(jb * L, L)] = off + cum - c16
                nzi = (c16 > 0).astype(jnp.int32)
                nzc = jnp.sum(nzi)

                @pl.when(nzc > 0)
                def _():
                    posz = nz + plsc.cumsum(nzi) - 1
                    plsc.store_scatter(nz_v, [posz], iota + jb * L,
                                       mask=c16 > 0)

                return off + jnp.sum(c16), nz + nzc

            _, nnz = lax.fori_loop(0, S // (L * L), p2,
                                   (jnp.int32(0), jnp.int32(0)))

            def p3(m, _):
                jsp = plsc.load_gather(nz_v, [zero + m])
                lanes = jsp * L + iota
                v = plsc.load_gather(pr_v, [lanes])
                ge = v >= thr_vec
                base = plsc.load_gather(pfx_v, [jsp])
                pos = base + plsc.cumsum(ge.astype(jnp.int32)) - 1
                msk = ge & (pos < C)
                plsc.store_scatter(idx_v, [pos], lanes, mask=msk)
                plsc.store_scatter(sc_v, [pos], v, mask=msk)
                return 0

            lax.fori_loop(0, nnz, p3, 0)
            pltpu.sync_copy(x_hbm.at[idx_v], rows_v)
            pltpu.sync_copy(rows_v, tok_out.at[pl.ds(e * C, C)])
            pltpu.sync_copy(idx_v, idx_out.at[e])
            pltpu.sync_copy(sc_v, sc_out.at[e])

    return k(probsT, thr, x2d)



def _ffn_body(tok_ref, w1_ref, b1_ref, w2_ref, b2_ref, sc_ref,
              x_ref, ws1_ref, bs1_ref, ws2_ref, bs2_ref, eo_ref, sh_ref):
    bf = jnp.bfloat16
    tok = tok_ref[...].astype(bf)
    h = jnp.dot(tok, w1_ref[0].astype(bf), preferred_element_type=jnp.float32)
    h = jax.nn.gelu(h + b1_ref[0], approximate=True)
    o = jnp.dot(h.astype(bf), w2_ref[0].astype(bf),
                preferred_element_type=jnp.float32)
    eo_ref[...] = ((o + b2_ref[0]) * sc_ref[...]).astype(bf)

    xb = x_ref[...].astype(bf)
    hs = jnp.dot(xb, ws1_ref[...], preferred_element_type=jnp.float32)
    hs = jax.nn.gelu(hs + bs1_ref[...], approximate=True)
    sh_ref[...] = jnp.dot(hs.astype(bf), ws2_ref[...],
                          preferred_element_type=jnp.float32) + bs2_ref[...]


def _ffn(toks, W1, b1, W2, b2, scores_col, x2d, Ws1b, bs1_2d, Ws2b, bs2_2d):
    return pl.pallas_call(
        _ffn_body,
        grid=(E,),
        in_specs=[
            pl.BlockSpec((C, D), lambda e: (e, 0)),
            pl.BlockSpec((1, D, H), lambda e: (e, 0, 0)),
            pl.BlockSpec((1, 1, H), lambda e: (e, 0, 0)),
            pl.BlockSpec((1, H, D), lambda e: (e, 0, 0)),
            pl.BlockSpec((1, 1, D), lambda e: (e, 0, 0)),
            pl.BlockSpec((C, 1), lambda e: (e, 0)),
            pl.BlockSpec((C, D), lambda e: (e, 0)),
            pl.BlockSpec((D, H), lambda e: (0, 0)),
            pl.BlockSpec((1, H), lambda e: (0, 0)),
            pl.BlockSpec((H, D), lambda e: (0, 0)),
            pl.BlockSpec((1, D), lambda e: (0, 0)),
        ],
        out_specs=[
            pl.BlockSpec((C, D), lambda e: (e, 0)),
            pl.BlockSpec((C, D), lambda e: (e, 0)),
        ],
        out_shape=[
            jax.ShapeDtypeStruct((S, D), jnp.bfloat16),
            jax.ShapeDtypeStruct((S, D), jnp.float32),
        ],
        compiler_params=pltpu.CompilerParams(
            vmem_limit_bytes=112 * 1024 * 1024),
    )(toks, W1, b1, W2, b2, scores_col, x2d, Ws1b, bs1_2d, Ws2b, bs2_2d)



TE = 1024


def _combine_body(idx_ref, eo_ref, sh_ref, out_ref):
    ids = idx_ref[...]
    t0 = pl.program_id(0) * TE
    tok = jax.lax.broadcasted_iota(jnp.int32, (1, TE), 1) + t0
    onehot = (ids == tok).astype(jnp.bfloat16)
    acc = lax.dot_general(onehot, eo_ref[...], (((0,), (0,)), ((), ())),
                          preferred_element_type=jnp.float32)
    out_ref[...] = acc + sh_ref[...]


def _combine(eo_bf, idx_col, sh):
    return pl.pallas_call(
        _combine_body,
        grid=(S // TE,),
        in_specs=[
            pl.BlockSpec((S, 1), lambda t: (0, 0)),
            pl.BlockSpec((S, D), lambda t: (0, 0)),
            pl.BlockSpec((TE, D), lambda t: (t, 0)),
        ],
        out_specs=pl.BlockSpec((TE, D), lambda t: (t, 0)),
        out_shape=jax.ShapeDtypeStruct((S, D), jnp.float32),
    )(idx_col, eo_bf, sh)



def kernel(x, Wg, W1, b1, W2, b2, Ws1, bs1, Ws2, bs2):
    x2d = x.reshape(S, D)
    probsT, thr = _router(x2d, Wg)
    idx, scores, toks = _select_gather(probsT, thr, x2d)
    eo, sh = _ffn(toks, W1, b1.reshape(E, 1, H), W2, b2.reshape(E, 1, D),
                  scores.reshape(S, 1), x2d,
                  Ws1.astype(jnp.bfloat16), bs1.reshape(1, H),
                  Ws2.astype(jnp.bfloat16), bs2.reshape(1, D))
    out = _combine(eo, idx.reshape(S, 1), sh)
    return out.reshape(B_, S, D)

# --- scband reference (transcript-rebuilt; emitter-appended) ---
"""Pipeline reference for scband-experts-feed-forward-15436112461976 (READ-ONLY COPY).

The authoritative reference and input builder live on the scoring server;
editing this copy changes nothing except your own understanding.
"""

import jax, jax.numpy as jnp
import numpy as np

B = 1
S = 8192
D_MODEL = 768
HIDDEN = 3072
E = 64
# _compute_group_size: num_tokens=8192, max_group_size=4096 -> min_num_groups=2;
# smallest num_groups dividing 8192 and divisible by num_experts(64) -> 64
NUM_GROUPS = 64
GROUP_SIZE = 128
# expert_capacity = max(min_expert_capacity, int(capacity_factor * total_tokens / num_experts)) = 128
CAPACITY = 128


def setup_inputs(seed: int = 0) -> dict:
    key = jax.random.key(seed)
    ks = jax.random.split(key, 10)
    x = jax.random.normal(ks[0], (B, S, D_MODEL), dtype=jnp.float32)
    # router gate (no bias, lecun_normal-like scale)
    Wg = jax.random.normal(ks[1], (D_MODEL, E), dtype=jnp.float32) / np.sqrt(D_MODEL)
    # stacked routed-expert FeedForward params
    W1 = jax.random.normal(ks[2], (E, D_MODEL, HIDDEN), dtype=jnp.float32) / np.sqrt(D_MODEL)
    b1 = jnp.zeros((E, HIDDEN), dtype=jnp.float32)
    W2 = jax.random.normal(ks[3], (E, HIDDEN, D_MODEL), dtype=jnp.float32) / np.sqrt(HIDDEN)
    b2 = jnp.zeros((E, D_MODEL), dtype=jnp.float32)
    # single shared expert FeedForward params
    Ws1 = jax.random.normal(ks[4], (D_MODEL, HIDDEN), dtype=jnp.float32) / np.sqrt(D_MODEL)
    bs1 = jnp.zeros((HIDDEN,), dtype=jnp.float32)
    Ws2 = jax.random.normal(ks[5], (HIDDEN, D_MODEL), dtype=jnp.float32) / np.sqrt(HIDDEN)
    bs2 = jnp.zeros((D_MODEL,), dtype=jnp.float32)
    return {"x": x, "Wg": Wg, "W1": W1, "b1": b1, "W2": W2, "b2": b2,
            "Ws1": Ws1, "bs1": bs1, "Ws2": Ws2, "bs2": bs2}


def reference(x, Wg, W1, b1, W2, b2, Ws1, bs1, Ws2, bs2):
    # group tokens: (num_groups, group_size, d_model)
    xg = x.reshape(NUM_GROUPS, GROUP_SIZE, D_MODEL)
    # --- Router (inference path: training=False, use_mask_routing=False) ---
    router_logits = jnp.einsum('gsd,de->gse', xg, Wg)
    router_probs = jax.nn.softmax(router_logits, axis=-1)
    flat_probs = router_probs.transpose(2, 0, 1).reshape(E, -1)
    scores, token_indices = jax.lax.top_k(flat_probs, k=CAPACITY)
    group_indices = token_indices // GROUP_SIZE
    pos_indices = token_indices % GROUP_SIZE
    # --- Routed experts (all FeedForward experts) ---
    # gather tokens per expert: (E, CAPACITY, D_MODEL)
    tokens = xg[group_indices, pos_indices]
    h = jax.nn.gelu(jnp.einsum('ecd,edh->ech', tokens, W1) + b1[:, None, :])
    expert_out = jnp.einsum('ech,ehd->ecd', h, W2) + b2[:, None, :]
    expert_out = expert_out * scores[..., None]
    routed = jnp.zeros_like(xg).at[
        group_indices.reshape(-1), pos_indices.reshape(-1)
    ].add(expert_out.reshape(-1, D_MODEL))
    # --- Shared expert (mean over 1 shared expert) ---
    hs = jax.nn.gelu(jnp.einsum('gsd,dh->gsh', xg, Ws1) + bs1)
    shared = jnp.einsum('gsh,hd->gsd', hs, Ws2) + bs2
    out = (routed + shared).reshape(B, S, D_MODEL)
    return out


if False:  # reference __main__ guard neutralized (emitter)
    inp = setup_inputs()
    out = reference(**inp)
    print(out.shape, out.dtype)

if __name__ == "__main__":
    import jax
    _d = setup_inputs()
    print(jax.jit(kernel)(*tuple(_d.values())))

</pallas_src>

<mosaic_0001>
#map = affine_map<(d0, d1) -> (0, 0)>
module attributes {stable_mosaic.version = 14 : i64} {
  func.func @k(%arg0: i32, %arg1: i32, %arg2: memref<64x8192xf32, #tpu.memory_space<hbm>>, %arg3: memref<64x16xf32, #tpu.memory_space<hbm>>, %arg4: memref<8192x768xf32, #tpu.memory_space<hbm>>, %arg5: memref<64x128xi32, #tpu.memory_space<hbm>>, %arg6: memref<64x128xf32, #tpu.memory_space<hbm>>, %arg7: memref<8192x768xf32, #tpu.memory_space<hbm>>, %arg8: memref<8192xf32, #tpu.memory_space<vmem>>, %arg9: memref<16xf32, #tpu.memory_space<vmem>>, %arg10: memref<128xi32, #tpu.memory_space<vmem>>, %arg11: memref<128xf32, #tpu.memory_space<vmem>>, %arg12: memref<128x768xf32, #tpu.memory_space<vmem>>, %arg13: memref<512xi32, #tpu.memory_space<vmem>>, %arg14: memref<512xi32, #tpu.memory_space<vmem>>, %arg15: memref<512xi32, #tpu.memory_space<vmem>>) attributes {dimension_semantics = [#tpu.dimension_semantics<core_parallel>, #tpu.dimension_semantics<subcore_parallel>], iteration_bounds = array<i64: 2, 16>, scalar_prefetch = 0 : i64, scratch_operands = 8 : i64, tpu.core_type = #tpu.core_type<sc_vector_subcore>, window_params = [{transform_indices = #map}, {transform_indices = #map}, {transform_indices = #map}, {transform_indices = #map}, {transform_indices = #map}, {transform_indices = #map}]} {
    %mul3A = arith.constant 2 : i32
    %mul3A_0 = arith.muli %arg1, %mul3A : i32
    %add3A = arith.addi %mul3A_0, %arg0 : i32
    %iota3A = tpu.iota {dimensions = array<i32: 0>} : vector<16xi32>
    %broadcast_in_dim3A = arith.constant 0 : i32
    %broadcast_in_dim3A_1 = vector.broadcast %broadcast_in_dim3A : i32 to vector<16xi32>
    %eq3A = arith.constant 0 : i32
    %eq3A_2 = vector.broadcast %eq3A : i32 to vector<16xi32>
    %eq3A_3 = arith.cmpi eq, %iota3A, %eq3A_2 : vector<16xi32>
    %mul3A_4 = arith.constant 2 : i32
    %mul3A_5 = arith.muli %add3A, %mul3A_4 : i32
    %add3A_6 = arith.constant 0 : i32
    %add3A_7 = arith.addi %mul3A_5, %add3A_6 : i32
    "tpu.region"() ({
      %run_scoped3A = tpu.sem_alloc : memref<!tpu.dma_semaphore, #tpu.memory_space<semaphore_mem>>
      %dma_start3A = arith.constant 0 : i32
      %dma_start3A_71 = tpu.memref_slice %arg2[%add3A_7, %dma_start3A] : memref<64x8192xf32, #tpu.memory_space<hbm>> -> memref<1x8192xf32, #tpu.memory_space<hbm>>
      %dma_start3A_72 = tpu.memref_squeeze %dma_start3A_71 : memref<1x8192xf32, #tpu.memory_space<hbm>> -> memref<8192xf32, #tpu.memory_space<hbm>>
      %dma_start3A_73 = arith.constant 0 : i32
      %dma_start3A_74 = tpu.memref_slice %arg2[%add3A_7, %dma_start3A_73] : memref<64x8192xf32, #tpu.memory_space<hbm>> -> memref<1x8192xf32, #tpu.memory_space<hbm>>
      %dma_start3A_75 = tpu.memref_squeeze %dma_start3A_74 : memref<1x8192xf32, #tpu.memory_space<hbm>> -> memref<8192xf32, #tpu.memory_space<hbm>>
      tpu.enqueue_dma source(%dma_start3A_75 : memref<8192xf32, #tpu.memory_space<hbm>>) target(%arg8 : memref<8192xf32, #tpu.memory_space<vmem>>) target_semaphore(%run_scoped3A : memref<!tpu.dma_semaphore, #tpu.memory_space<semaphore_mem>>)
      %dma_wait3A = arith.constant 0 : i32
      %dma_wait3A_76 = tpu.memref_slice %arg2[%add3A_7, %dma_wait3A] : memref<64x8192xf32, #tpu.memory_space<hbm>> -> memref<1x8192xf32, #tpu.memory_space<hbm>>
      %dma_wait3A_77 = tpu.memref_squeeze %dma_wait3A_76 : memref<1x8192xf32, #tpu.memory_space<hbm>> -> memref<8192xf32, #tpu.memory_space<hbm>>
      %dma_wait3A_78 = arith.constant 0 : i32
      %dma_wait3A_79 = tpu.memref_slice %arg2[%add3A_7, %dma_wait3A_78] : memref<64x8192xf32, #tpu.memory_space<hbm>> -> memref<1x8192xf32, #tpu.memory_space<hbm>>
      %dma_wait3A_80 = tpu.memref_squeeze %dma_wait3A_79 : memref<1x8192xf32, #tpu.memory_space<hbm>> -> memref<8192xf32, #tpu.memory_space<hbm>>
      tpu.wait_dma2 semaphore(%run_scoped3A : memref<!tpu.dma_semaphore, #tpu.memory_space<semaphore_mem>>) src(%dma_wait3A_80 : memref<8192xf32, #tpu.memory_space<hbm>>) dst(%arg8 : memref<8192xf32, #tpu.memory_space<vmem>>)
      tpu.yield
    }) : () -> ()
    "tpu.region"() ({
      %run_scoped3A = tpu.sem_alloc : memref<!tpu.dma_semaphore, #tpu.memory_space<semaphore_mem>>
      %dma_start3A = arith.constant 0 : i32
      %dma_start3A_71 = tpu.memref_slice %arg3[%add3A_7, %dma_start3A] : memref<64x16xf32, #tpu.memory_space<hbm>> -> memref<1x16xf32, #tpu.memory_space<hbm>>
      %dma_start3A_72 = tpu.memref_squeeze %dma_start3A_71 : memref<1x16xf32, #tpu.memory_space<hbm>> -> memref<16xf32, #tpu.memory_space<hbm>>
      %dma_start3A_73 = arith.constant 0 : i32
      %dma_start3A_74 = tpu.memref_slice %arg3[%add3A_7, %dma_start3A_73] : memref<64x16xf32, #tpu.memory_space<hbm>> -> memref<1x16xf32, #tpu.memory_space<hbm>>
      %dma_start3A_75 = tpu.memref_squeeze %dma_start3A_74 : memref<1x16xf32, #tpu.memory_space<hbm>> -> memref<16xf32, #tpu.memory_space<hbm>>
      tpu.enqueue_dma source(%dma_start3A_75 : memref<16xf32, #tpu.memory_space<hbm>>) target(%arg9 : memref<16xf32, #tpu.memory_space<vmem>>) target_semaphore(%run_scoped3A : memref<!tpu.dma_semaphore, #tpu.memory_space<semaphore_mem>>)
      %dma_wait3A = arith.constant 0 : i32
      %dma_wait3A_76 = tpu.memref_slice %arg3[%add3A_7, %dma_wait3A] : memref<64x16xf32, #tpu.memory_space<hbm>> -> memref<1x16xf32, #tpu.memory_space<hbm>>
      %dma_wait3A_77 = tpu.memref_squeeze %dma_wait3A_76 : memref<1x16xf32, #tpu.memory_space<hbm>> -> memref<16xf32, #tpu.memory_space<hbm>>
      %dma_wait3A_78 = arith.constant 0 : i32
      %dma_wait3A_79 = tpu.memref_slice %arg3[%add3A_7, %dma_wait3A_78] : memref<64x16xf32, #tpu.memory_space<hbm>> -> memref<1x16xf32, #tpu.memory_space<hbm>>
      %dma_wait3A_80 = tpu.memref_squeeze %dma_wait3A_79 : memref<1x16xf32, #tpu.memory_space<hbm>> -> memref<16xf32, #tpu.memory_space<hbm>>
      tpu.wait_dma2 semaphore(%run_scoped3A : memref<!tpu.dma_semaphore, #tpu.memory_space<semaphore_mem>>) src(%dma_wait3A_80 : memref<16xf32, #tpu.memory_space<hbm>>) dst(%arg9 : memref<16xf32, #tpu.memory_space<vmem>>)
      tpu.yield
    }) : () -> ()
    %get3A = arith.constant 0 : index
    %get3A_8 = tpu.vector_load %arg9[%get3A] {strides = array<i32>} : memref<16xf32, #tpu.memory_space<vmem>>, vector<16xf32>,
    %scan3A = arith.constant 0 : i32
    %scan3A_9 = arith.constant 0 : i32
    %scan3A_10 = arith.constant 512 : i32
    %scan3A_11 = arith.addi %scan3A_9, %scan3A_10 : i32
    %scan3A_12 = arith.constant 1 : i32
    %scan3A_13 = scf.for %scan3A_71 = %scan3A_9 to %scan3A_11 step %scan3A_12 iter_args(%scan3A_72 = %scan3A) -> (i32)  : i32 {
      %mul3A_73 = arith.constant 16 : i32
      %mul3A_74 = arith.muli %scan3A_71, %mul3A_73 : i32
      %get3A_75 = arith.index_cast %mul3A_74 : i32 to index
      %get3A_76 = tpu.vector_load %arg8[%get3A_75] {strides = array<i32>} : memref<8192xf32, #tpu.memory_space<vmem>>, vector<16xf32>,
      %ge3A = arith.cmpf oge, %get3A_76, %get3A_8 : vector<16xf32>
      %all_reduce_population_count3A = tpu.all_reduce %ge3A {dim = 0 : i64, kind = #tpu.reduction_kind<sum>} : vector<16xi1> -> vector<16xi32>
      %add3A_77 = vector.broadcast %scan3A_71 : i32 to vector<16xi32>
      %add3A_78 = arith.addi %broadcast_in_dim3A_1, %add3A_77 : vector<16xi32>
      tpu.vector_store_idx %arg13[%add3A_78], %all_reduce_population_count3A masked %eq3A_3 : memref<512xi32, #tpu.memory_space<vmem>>[vector<16xi32>], vector<16xi32>, vector<16xi1>
      %scan3A_79 = arith.constant 0 : i32
      scf.yield %scan3A_79 : i32
    }
    %scan3A_14 = arith.constant 512 : i32
    %scan3A_15 = arith.constant 0 : i32
    %scan3A_16 = arith.constant 0 : i32
    %scan3A_17 = arith.constant 0 : i32
    %scan3A_18 = arith.constant 32 : i32
    %scan3A_19 = arith.addi %scan3A_17, %scan3A_18 : i32
    %scan3A_20 = arith.constant 1 : i32
    %scan3A_21:2 = scf.for %scan3A_71 = %scan3A_17 to %scan3A_19 step %scan3A_20 iter_args(%scan3A_72 = %scan3A_15, %scan3A_73 = %scan3A_16) -> (i32, i32)  : i32 {
      %mul3A_74 = arith.constant 16 : i32
      %mul3A_75 = arith.muli %scan3A_71, %mul3A_74 : i32
      %get3A_76 = arith.index_cast %mul3A_75 : i32 to index
      %get3A_77 = tpu.vector_load %arg13[%get3A_76] {strides = array<i32>} : memref<512xi32, #tpu.memory_space<vmem>>, vector<16xi32>,
      %broadcast_in_dim3A_78 = arith.constant true
      %broadcast_in_dim3A_79 = vector.broadcast %broadcast_in_dim3A_78 : i1 to vector<16xi1>
      %masked_cumsum3A = tpu.scan <sum>, %get3A_77 masked %broadcast_in_dim3A_79 : vector<16xi32>, vector<16xi1> -> vector<16xi32>
      %add3A_80 = vector.broadcast %scan3A_72 : i32 to vector<16xi32>
      %add3A_81 = arith.addi %add3A_80, %masked_cumsum3A : vector<16xi32>
      %sub3A = arith.subi %add3A_81, %get3A_77 : vector<16xi32>
      %mul3A_82 = arith.constant 16 : i32
      %mul3A_83 = arith.muli %scan3A_71, %mul3A_82 : i32
      %swap3A = arith.index_cast %mul3A_83 : i32 to index
      %swap3A_84 = tpu.vector_load %arg14[%swap3A] {strides = array<i32>} : memref<512xi32, #tpu.memory_space<vmem>>, vector<16xi32>,
      tpu.vector_store %arg14[%swap3A], %sub3A {strides = array<i32>} : memref<512xi32, #tpu.memory_space<vmem>>, vector<16xi32>,
      %gt3A = arith.constant 0 : i32
      %gt3A_85 = vector.broadcast %gt3A : i32 to vector<16xi32>
      %gt3A_86 = arith.cmpi sgt, %get3A_77, %gt3A_85 : vector<16xi32>
      %convert_element_type3A = arith.extui %gt3A_86 : vector<16xi1> to vector<16xi32>
      %reduce_sum3A = arith.constant true
      %reduce_sum3A_87 = vector.broadcast %reduce_sum3A : i1 to vector<16xi1>
      %reduce_sum3A_88 = tpu.scan <sum>, %convert_element_type3A masked %reduce_sum3A_87 : vector<16xi32>, vector<16xi1> -> vector<16xi32>
      %reduce_sum3A_89 = vector.extract %reduce_sum3A_88[15] : i32 from vector<16xi32>
      %gt3A_90 = arith.constant 0 : i32
      %gt3A_91 = arith.cmpi sgt, %reduce_sum3A_89, %gt3A_90 : i32
      %convert_element_type3A_92 = arith.extui %gt3A_91 : i1 to i32
      %cond3A = arith.constant 0 : i32
      %cond3A_93 = arith.cmpi ne, %convert_element_type3A_92, %cond3A : i32
      scf.if %cond3A_93 {
        %broadcast_in_dim3A_100 = arith.constant true
        %broadcast_in_dim3A_101 = vector.broadcast %broadcast_in_dim3A_100 : i1 to vector<16xi1>
        %masked_cumsum3A_102 = tpu.scan <sum>, %convert_element_type3A masked %broadcast_in_dim3A_101 : vector<16xi32>, vector<16xi1> -> vector<16xi32>
        %add3A_103 = vector.broadcast %scan3A_73 : i32 to vector<16xi32>
        %add3A_104 = arith.addi %add3A_103, %masked_cumsum3A_102 : vector<16xi32>
        %sub3A_105 = arith.constant 1 : i32
        %sub3A_106 = vector.broadcast %sub3A_105 : i32 to vector<16xi32>
        %sub3A_107 = arith.subi %add3A_104, %sub3A_106 : vector<16xi32>
        %mul3A_108 = arith.constant 16 : i32
        %mul3A_109 = arith.muli %scan3A_71, %mul3A_108 : i32
        %add3A_110 = vector.broadcast %mul3A_109 : i32 to vector<16xi32>
        %add3A_111 = arith.addi %iota3A, %add3A_110 : vector<16xi32>
        %gt3A_112 = arith.constant 0 : i32
        %gt3A_113 = vector.broadcast %gt3A_112 : i32 to vector<16xi32>
        %gt3A_114 = arith.cmpi sgt, %get3A_77, %gt3A_113 : vector<16xi32>
        tpu.vector_store_idx %arg15[%sub3A_107], %add3A_111 masked %gt3A_114 : memref<512xi32, #tpu.memory_space<vmem>>[vector<16xi32>], vector<16xi32>, vector<16xi1>
      } else {
      }
      %reduce_sum3A_94 = arith.constant true
      %reduce_sum3A_95 = vector.broadcast %reduce_sum3A_94 : i1 to vector<16xi1>
      %reduce_sum3A_96 = tpu.scan <sum>, %get3A_77 masked %reduce_sum3A_95 : vector<16xi32>, vector<16xi1> -> vector<16xi32>
      %reduce_sum3A_97 = vector.extract %reduce_sum3A_96[15] : i32 from vector<16xi32>
      %add3A_98 = arith.addi %scan3A_72, %reduce_sum3A_97 : i32
      %add3A_99 = arith.addi %scan3A_73, %reduce_sum3A_89 : i32
      scf.yield %add3A_98, %add3A_99 : i32, i32
    }
    %scan3A_22 = arith.constant 32 : i32
    %while3A = arith.constant 0 : i32
    %while3A_23 = arith.constant 0 : i32
    %while3A_24 = arith.subi %scan3A_21#1, %while3A : i32
    %while3A_25 = arith.addi %while3A, %while3A_24 : i32
    %while3A_26 = arith.constant 1 : i32
    %while3A_27 = arith.divsi %while3A_24, %while3A_26 : i32
    %while3A_28 = arith.muli %while3A_27, %while3A_26 : i32
    %while3A_29 = arith.addi %while3A, %while3A_28 : i32
    %while3A_30 = arith.constant 1 : i32
    %while3A_31 = scf.for %while3A_71 = %while3A to %while3A_29 step %while3A_30 iter_args(%while3A_72 = %while3A_23) -> (i32)  : i32 {
      %add3A_73 = vector.broadcast %while3A_71 : i32 to vector<16xi32>
      %add3A_74 = arith.addi %broadcast_in_dim3A_1, %add3A_73 : vector<16xi32>
      %gather3A = tpu.vector_load_idx %arg15[%add3A_74] : memref<512xi32, #tpu.memory_space<vmem>>[vector<16xi32>], vector<16xi32>,
      %mul3A_75 = arith.constant 16 : i32
      %mul3A_76 = vector.broadcast %mul3A_75 : i32 to vector<16xi32>
      %mul3A_77 = arith.muli %gather3A, %mul3A_76 : vector<16xi32>
      %add3A_78 = arith.addi %mul3A_77, %iota3A : vector<16xi32>
      %gather3A_79 = tpu.vector_load_idx %arg8[%add3A_78] : memref<8192xf32, #tpu.memory_space<vmem>>[vector<16xi32>], vector<16xf32>,
      %ge3A = arith.cmpf oge, %gather3A_79, %get3A_8 : vector<16xf32>
      %gather3A_80 = tpu.vector_load_idx %arg14[%gather3A] : memref<512xi32, #tpu.memory_space<vmem>>[vector<16xi32>], vector<16xi32>,
      %convert_element_type3A = arith.extui %ge3A : vector<16xi1> to vector<16xi32>
      %broadcast_in_dim3A_81 = arith.constant true
      %broadcast_in_dim3A_82 = vector.broadcast %broadcast_in_dim3A_81 : i1 to vector<16xi1>
      %masked_cumsum3A = tpu.scan <sum>, %convert_element_type3A masked %broadcast_in_dim3A_82 : vector<16xi32>, vector<16xi1> -> vector<16xi32>
      %add3A_83 = arith.addi %gather3A_80, %masked_cumsum3A : vector<16xi32>
      %sub3A = arith.constant 1 : i32
      %sub3A_84 = vector.broadcast %sub3A : i32 to vector<16xi32>
      %sub3A_85 = arith.subi %add3A_83, %sub3A_84 : vector<16xi32>
      %lt3A = arith.constant 128 : i32
      %lt3A_86 = vector.broadcast %lt3A : i32 to vector<16xi32>
      %lt3A_87 = arith.cmpi slt, %sub3A_85, %lt3A_86 : vector<16xi32>
      %and3A = arith.andi %ge3A, %lt3A_87 : vector<16xi1>
      tpu.vector_store_idx %arg10[%sub3A_85], %add3A_78 masked %and3A : memref<128xi32, #tpu.memory_space<vmem>>[vector<16xi32>], vector<16xi32>, vector<16xi1>
      tpu.vector_store_idx %arg11[%sub3A_85], %gather3A_79 masked %and3A : memref<128xf32, #tpu.memory_space<vmem>>[vector<16xi32>], vector<16xf32>, vector<16xi1>
      %while3A_88 = arith.constant 0 : i32
      scf.yield %while3A_88 : i32
    }
    %while3A_32 = arith.constant 1 : i32
    %while3A_33 = scf.for %while3A_71 = %while3A_29 to %while3A_25 step %while3A_32 iter_args(%while3A_72 = %while3A_31) -> (i32)  : i32 {
      %add3A_73 = vector.broadcast %while3A_71 : i32 to vector<16xi32>
      %add3A_74 = arith.addi %broadcast_in_dim3A_1, %add3A_73 : vector<16xi32>
      %gather3A = tpu.vector_load_idx %arg15[%add3A_74] : memref<512xi32, #tpu.memory_space<vmem>>[vector<16xi32>], vector<16xi32>,
      %mul3A_75 = arith.constant 16 : i32
      %mul3A_76 = vector.broadcast %mul3A_75 : i32 to vector<16xi32>
      %mul3A_77 = arith.muli %gather3A, %mul3A_76 : vector<16xi32>
      %add3A_78 = arith.addi %mul3A_77, %iota3A : vector<16xi32>
      %gather3A_79 = tpu.vector_load_idx %arg8[%add3A_78] : memref<8192xf32, #tpu.memory_space<vmem>>[vector<16xi32>], vector<16xf32>,
      %ge3A = arith.cmpf oge, %gather3A_79, %get3A_8 : vector<16xf32>
      %gather3A_80 = tpu.vector_load_idx %arg14[%gather3A] : memref<512xi32, #tpu.memory_space<vmem>>[vector<16xi32>], vector<16xi32>,
      %convert_element_type3A = arith.extui %ge3A : vector<16xi1> to vector<16xi32>
      %broadcast_in_dim3A_81 = arith.constant true
      %broadcast_in_dim3A_82 = vector.broadcast %broadcast_in_dim3A_81 : i1 to vector<16xi1>
      %masked_cumsum3A = tpu.scan <sum>, %convert_element_type3A masked %broadcast_in_dim3A_82 : vector<16xi32>, vector<16xi1> -> vector<16xi32>
      %add3A_83 = arith.addi %gather3A_80, %masked_cumsum3A : vector<16xi32>
      %sub3A = arith.constant 1 : i32
      %sub3A_84 = vector.broadcast %sub3A : i32 to vector<16xi32>
      %sub3A_85 = arith.subi %add3A_83, %sub3A_84 : vector<16xi32>
      %lt3A = arith.constant 128 : i32
      %lt3A_86 = vector.broadcast %lt3A : i32 to vector<16xi32>
      %lt3A_87 = arith.cmpi slt, %sub3A_85, %lt3A_86 : vector<16xi32>
      %and3A = arith.andi %ge3A, %lt3A_87 : vector<16xi1>
      tpu.vector_store_idx %arg10[%sub3A_85], %add3A_78 masked %and3A : memref<128xi32, #tpu.memory_space<vmem>>[vector<16xi32>], vector<16xi32>, vector<16xi1>
      tpu.vector_store_idx %arg11[%sub3A_85], %gather3A_79 masked %and3A : memref<128xf32, #tpu.memory_space<vmem>>[vector<16xi32>], vector<16xf32>, vector<16xi1>
      %while3A_88 = arith.constant 0 : i32
      scf.yield %while3A_88 : i32
    }
    "tpu.region"() ({
      %run_scoped3A = tpu.sem_alloc : memref<!tpu.dma_semaphore, #tpu.memory_space<semaphore_mem>>
      %dma_start3A = arith.constant 0 : i32
      %dma_start3A_71 = arith.constant 0 : i32
      %dma_start3A_72 = tpu.memref_slice %arg4[%dma_start3A, %dma_start3A_71] : memref<8192x768xf32, #tpu.memory_space<hbm>> -> memref<8192x768xf32, #tpu.memory_space<hbm>>
      tpu.enqueue_indirect_dma source(%dma_start3A_72 : memref<8192x768xf32, #tpu.memory_space<hbm>>) target(%arg12 : memref<128x768xf32, #tpu.memory_space<vmem>>) offsets(%arg10 : memref<128xi32, #tpu.memory_space<vmem>>) semaphore(%run_scoped3A : memref<!tpu.dma_semaphore, #tpu.memory_space<semaphore_mem>>)
      %dma_wait3A = arith.constant 0 : i32
      %dma_wait3A_73 = arith.constant 0 : i32
      %dma_wait3A_74 = tpu.memref_slice %arg4[%dma_wait3A, %dma_wait3A_73] : memref<8192x768xf32, #tpu.memory_space<hbm>> -> memref<8192x768xf32, #tpu.memory_space<hbm>>
      tpu.wait_indirect_dma semaphore(%run_scoped3A : memref<!tpu.dma_semaphore, #tpu.memory_space<semaphore_mem>>) src(%dma_wait3A_74 : memref<8192x768xf32, #tpu.memory_space<hbm>>) dst(%arg12 : memref<128x768xf32, #tpu.memory_space<vmem>>)
      tpu.yield
    }) : () -> ()
    %mul3A_34 = arith.constant 128 : i32
    %mul3A_35 = arith.muli %add3A_7, %mul3A_34 : i32
    "tpu.region"() ({
      %run_scoped3A = tpu.sem_alloc : memref<!tpu.dma_semaphore, #tpu.memory_space<semaphore_mem>>
      %dma_start3A = arith.constant 0 : i32
      %dma_start3A_71 = tpu.memref_slice %arg7[%mul3A_35, %dma_start3A] : memref<8192x768xf32, #tpu.memory_space<hbm>> -> memref<128x768xf32, #tpu.memory_space<hbm>>
      %dma_start3A_72 = arith.constant 0 : i32
      %dma_start3A_73 = tpu.memref_slice %arg7[%mul3A_35, %dma_start3A_72] : memref<8192x768xf32, #tpu.memory_space<hbm>> -> memref<128x768xf32, #tpu.memory_space<hbm>>
      tpu.enqueue_dma source(%arg12 : memref<128x768xf32, #tpu.memory_space<vmem>>) target(%dma_start3A_73 : memref<128x768xf32, #tpu.memory_space<hbm>>) target_semaphore(%run_scoped3A : memref<!tpu.dma_semaphore, #tpu.memory_space<semaphore_mem>>)
      %dma_wait3A = arith.constant 0 : i32
      %dma_wait3A_74 = tpu.memref_slice %arg7[%mul3A_35, %dma_wait3A] : memref<8192x768xf32, #tpu.memory_space<hbm>> -> memref<128x768xf32, #tpu.memory_space<hbm>>
      %dma_wait3A_75 = arith.constant 0 : i32
      %dma_wait3A_76 = tpu.memref_slice %arg7[%mul3A_35, %dma_wait3A_75] : memref<8192x768xf32, #tpu.memory_space<hbm>> -> memref<128x768xf32, #tpu.memory_space<hbm>>
      tpu.wait_dma2 semaphore(%run_scoped3A : memref<!tpu.dma_semaphore, #tpu.memory_space<semaphore_mem>>) src(%arg12 : memref<128x768xf32, #tpu.memory_space<vmem>>) dst(%dma_wait3A_76 : memref<128x768xf32, #tpu.memory_space<hbm>>)
      tpu.yield
    }) : () -> ()
    "tpu.region"() ({
      %run_scoped3A = tpu.sem_alloc : memref<!tpu.dma_semaphore, #tpu.memory_space<semaphore_mem>>
      %dma_start3A = arith.constant 0 : i32
      %dma_start3A_71 = tpu.memref_slice %arg5[%add3A_7, %dma_start3A] : memref<64x128xi32, #tpu.memory_space<hbm>> -> memref<1x128xi32, #tpu.memory_space<hbm>>
      %dma_start3A_72 = tpu.memref_squeeze %dma_start3A_71 : memref<1x128xi32, #tpu.memory_space<hbm>> -> memref<128xi32, #tpu.memory_space<hbm>>
      %dma_start3A_73 = arith.constant 0 : i32
      %dma_start3A_74 = tpu.memref_slice %arg5[%add3A_7, %dma_start3A_73] : memref<64x128xi32, #tpu.memory_space<hbm>> -> memref<1x128xi32, #tpu.memory_space<hbm>>
      %dma_start3A_75 = tpu.memref_squeeze %dma_start3A_74 : memref<1x128xi32, #tpu.memory_space<hbm>> -> memref<128xi32, #tpu.memory_space<hbm>>
      tpu.enqueue_dma source(%arg10 : memref<128xi32, #tpu.memory_space<vmem>>) target(%dma_start3A_75 : memref<128xi32, #tpu.memory_space<hbm>>) target_semaphore(%run_scoped3A : memref<!tpu.dma_semaphore, #tpu.memory_space<semaphore_mem>>)
      %dma_wait3A = arith.constant 0 : i32
      %dma_wait3A_76 = tpu.memref_slice %arg5[%add3A_7, %dma_wait3A] : memref<64x128xi32, #tpu.memory_space<hbm>> -> memref<1x128xi32, #tpu.memory_space<hbm>>
      %dma_wait3A_77 = tpu.memref_squeeze %dma_wait3A_76 : memref<1x128xi32, #tpu.memory_space<hbm>> -> memref<128xi32, #tpu.memory_space<hbm>>
      %dma_wait3A_78 = arith.constant 0 : i32
      %dma_wait3A_79 = tpu.memref_slice %arg5[%add3A_7, %dma_wait3A_78] : memref<64x128xi32, #tpu.memory_space<hbm>> -> memref<1x128xi32, #tpu.memory_space<hbm>>
      %dma_wait3A_80 = tpu.memref_squeeze %dma_wait3A_79 : memref<1x128xi32, #tpu.memory_space<hbm>> -> memref<128xi32, #tpu.memory_space<hbm>>
      tpu.wait_dma2 semaphore(%run_scoped3A : memref<!tpu.dma_semaphore, #tpu.memory_space<semaphore_mem>>) src(%arg10 : memref<128xi32, #tpu.memory_space<vmem>>) dst(%dma_wait3A_80 : memref<128xi32, #tpu.memory_space<hbm>>)
      tpu.yield
    }) : () -> ()
    "tpu.region"() ({
      %run_scoped3A = tpu.sem_alloc : memref<!tpu.dma_semaphore, #tpu.memory_space<semaphore_mem>>
      %dma_start3A = arith.constant 0 : i32
      %dma_start3A_71 = tpu.memref_slice %arg6[%add3A_7, %dma_start3A] : memref<64x128xf32, #tpu.memory_space<hbm>> -> memref<1x128xf32, #tpu.memory_space<hbm>>
      %dma_start3A_72 = tpu.memref_squeeze %dma_start3A_71 : memref<1x128xf32, #tpu.memory_space<hbm>> -> memref<128xf32, #tpu.memory_space<hbm>>
      %dma_start3A_73 = arith.constant 0 : i32
      %dma_start3A_74 = tpu.memref_slice %arg6[%add3A_7, %dma_start3A_73] : memref<64x128xf32, #tpu.memory_space<hbm>> -> memref<1x128xf32, #tpu.memory_space<hbm>>
      %dma_start3A_75 = tpu.memref_squeeze %dma_start3A_74 : memref<1x128xf32, #tpu.memory_space<hbm>> -> memref<128xf32, #tpu.memory_space<hbm>>
      tpu.enqueue_dma source(%arg11 : memref<128xf32, #tpu.memory_space<vmem>>) target(%dma_start3A_75 : memref<128xf32, #tpu.memory_space<hbm>>) target_semaphore(%run_scoped3A : memref<!tpu.dma_semaphore, #tpu.memory_space<semaphore_mem>>)
      %dma_wait3A = arith.constant 0 : i32
      %dma_wait3A_76 = tpu.memref_slice %arg6[%add3A_7, %dma_wait3A] : memref<64x128xf32, #tpu.memory_space<hbm>> -> memref<1x128xf32, #tpu.memory_space<hbm>>
      %dma_wait3A_77 = tpu.memref_squeeze %dma_wait3A_76 : memref<1x128xf32, #tpu.memory_space<hbm>> -> memref<128xf32, #tpu.memory_space<hbm>>
      %dma_wait3A_78 = arith.constant 0 : i32
      %dma_wait3A_79 = tpu.memref_slice %arg6[%add3A_7, %dma_wait3A_78] : memref<64x128xf32, #tpu.memory_space<hbm>> -> memref<1x128xf32, #tpu.memory_space<hbm>>
      %dma_wait3A_80 = tpu.memref_squeeze %dma_wait3A_79 : memref<1x128xf32, #tpu.memory_space<hbm>> -> memref<128xf32, #tpu.memory_space<hbm>>
      tpu.wait_dma2 semaphore(%run_scoped3A : memref<!tpu.dma_semaphore, #tpu.memory_space<semaphore_mem>>) src(%arg11 : memref<128xf32, #tpu.memory_space<vmem>>) dst(%dma_wait3A_80 : memref<128xf32, #tpu.memory_space<hbm>>)
      tpu.yield
    }) : () -> ()
    %mul3A_36 = arith.constant 2 : i32
    %mul3A_37 = arith.muli %add3A, %mul3A_36 : i32
    %add3A_38 = arith.constant 1 : i32
    %add3A_39 = arith.addi %mul3A_37, %add3A_38 : i32
    "tpu.region"() ({
      %run_scoped3A = tpu.sem_alloc : memref<!tpu.dma_semaphore, #tpu.memory_space<semaphore_mem>>
      %dma_start3A = arith.constant 0 : i32
      %dma_start3A_71 = tpu.memref_slice %arg2[%add3A_39, %dma_start3A] : memref<64x8192xf32, #tpu.memory_space<hbm>> -> memref<1x8192xf32, #tpu.memory_space<hbm>>
      %dma_start3A_72 = tpu.memref_squeeze %dma_start3A_71 : memref<1x8192xf32, #tpu.memory_space<hbm>> -> memref<8192xf32, #tpu.memory_space<hbm>>
      %dma_start3A_73 = arith.constant 0 : i32
      %dma_start3A_74 = tpu.memref_slice %arg2[%add3A_39, %dma_start3A_73] : memref<64x8192xf32, #tpu.memory_space<hbm>> -> memref<1x8192xf32, #tpu.memory_space<hbm>>
      %dma_start3A_75 = tpu.memref_squeeze %dma_start3A_74 : memref<1x8192xf32, #tpu.memory_space<hbm>> -> memref<8192xf32, #tpu.memory_space<hbm>>
      tpu.enqueue_dma source(%dma_start3A_75 : memref<8192xf32, #tpu.memory_space<hbm>>) target(%arg8 : memref<8192xf32, #tpu.memory_space<vmem>>) target_semaphore(%run_scoped3A : memref<!tpu.dma_semaphore, #tpu.memory_space<semaphore_mem>>)
      %dma_wait3A = arith.constant 0 : i32
      %dma_wait3A_76 = tpu.memref_slice %arg2[%add3A_39, %dma_wait3A] : memref<64x8192xf32, #tpu.memory_space<hbm>> -> memref<1x8192xf32, #tpu.memory_space<hbm>>
      %dma_wait3A_77 = tpu.memref_squeeze %dma_wait3A_76 : memref<1x8192xf32, #tpu.memory_space<hbm>> -> memref<8192xf32, #tpu.memory_space<hbm>>
      %dma_wait3A_78 = arith.constant 0 : i32
      %dma_wait3A_79 = tpu.memref_slice %arg2[%add3A_39, %dma_wait3A_78] : memref<64x8192xf32, #tpu.memory_space<hbm>> -> memref<1x8192xf32, #tpu.memory_space<hbm>>
      %dma_wait3A_80 = tpu.memref_squeeze %dma_wait3A_79 : memref<1x8192xf32, #tpu.memory_space<hbm>> -> memref<8192xf32, #tpu.memory_space<hbm>>
      tpu.wait_dma2 semaphore(%run_scoped3A : memref<!tpu.dma_semaphore, #tpu.memory_space<semaphore_mem>>) src(%dma_wait3A_80 : memref<8192xf32, #tpu.memory_space<hbm>>) dst(%arg8 : memref<8192xf32, #tpu.memory_space<vmem>>)
      tpu.yield
    }) : () -> ()
    "tpu.region"() ({
      %run_scoped3A = tpu.sem_alloc : memref<!tpu.dma_semaphore, #tpu.memory_space<semaphore_mem>>
      %dma_start3A = arith.constant 0 : i32
      %dma_start3A_71 = tpu.memref_slice %arg3[%add3A_39, %dma_start3A] : memref<64x16xf32, #tpu.memory_space<hbm>> -> memref<1x16xf32, #tpu.memory_space<hbm>>
      %dma_start3A_72 = tpu.memref_squeeze %dma_start3A_71 : memref<1x16xf32, #tpu.memory_space<hbm>> -> memref<16xf32, #tpu.memory_space<hbm>>
      %dma_start3A_73 = arith.constant 0 : i32
      %dma_start3A_74 = tpu.memref_slice %arg3[%add3A_39, %dma_start3A_73] : memref<64x16xf32, #tpu.memory_space<hbm>> -> memref<1x16xf32, #tpu.memory_space<hbm>>
      %dma_start3A_75 = tpu.memref_squeeze %dma_start3A_74 : memref<1x16xf32, #tpu.memory_space<hbm>> -> memref<16xf32, #tpu.memory_space<hbm>>
      tpu.enqueue_dma source(%dma_start3A_75 : memref<16xf32, #tpu.memory_space<hbm>>) target(%arg9 : memref<16xf32, #tpu.memory_space<vmem>>) target_semaphore(%run_scoped3A : memref<!tpu.dma_semaphore, #tpu.memory_space<semaphore_mem>>)
      %dma_wait3A = arith.constant 0 : i32
      %dma_wait3A_76 = tpu.memref_slice %arg3[%add3A_39, %dma_wait3A] : memref<64x16xf32, #tpu.memory_space<hbm>> -> memref<1x16xf32, #tpu.memory_space<hbm>>
      %dma_wait3A_77 = tpu.memref_squeeze %dma_wait3A_76 : memref<1x16xf32, #tpu.memory_space<hbm>> -> memref<16xf32, #tpu.memory_space<hbm>>
      %dma_wait3A_78 = arith.constant 0 : i32
      %dma_wait3A_79 = tpu.memref_slice %arg3[%add3A_39, %dma_wait3A_78] : memref<64x16xf32, #tpu.memory_space<hbm>> -> memref<1x16xf32, #tpu.memory_space<hbm>>
      %dma_wait3A_80 = tpu.memref_squeeze %dma_wait3A_79 : memref<1x16xf32, #tpu.memory_space<hbm>> -> memref<16xf32, #tpu.memory_space<hbm>>
      tpu.wait_dma2 semaphore(%run_scoped3A : memref<!tpu.dma_semaphore, #tpu.memory_space<semaphore_mem>>) src(%dma_wait3A_80 : memref<16xf32, #tpu.memory_space<hbm>>) dst(%arg9 : memref<16xf32, #tpu.memory_space<vmem>>)
      tpu.yield
    }) : () -> ()
    %get3A_40 = arith.constant 0 : index
    %get3A_41 = tpu.vector_load %arg9[%get3A_40] {strides = array<i32>} : memref<16xf32, #tpu.memory_space<vmem>>, vector<16xf32>,
    %scan3A_42 = arith.constant 0 : i32
    %scan3A_43 = arith.constant 0 : i32
    %scan3A_44 = arith.constant 512 : i32
    %scan3A_45 = arith.addi %scan3A_43, %scan3A_44 : i32
    %scan3A_46 = arith.constant 1 : i32
    %scan3A_47 = scf.for %scan3A_71 = %scan3A_43 to %scan3A_45 step %scan3A_46 iter_args(%scan3A_72 = %scan3A_42) -> (i32)  : i32 {
      %mul3A_73 = arith.constant 16 : i32
      %mul3A_74 = arith.muli %scan3A_71, %mul3A_73 : i32
      %get3A_75 = arith.index_cast %mul3A_74 : i32 to index
      %get3A_76 = tpu.vector_load %arg8[%get3A_75] {strides = array<i32>} : memref<8192xf32, #tpu.memory_space<vmem>>, vector<16xf32>,
      %ge3A = arith.cmpf oge, %get3A_76, %get3A_41 : vector<16xf32>
      %all_reduce_population_count3A = tpu.all_reduce %ge3A {dim = 0 : i64, kind = #tpu.reduction_kind<sum>} : vector<16xi1> -> vector<16xi32>
      %add3A_77 = vector.broadcast %scan3A_71 : i32 to vector<16xi32>
      %add3A_78 = arith.addi %broadcast_in_dim3A_1, %add3A_77 : vector<16xi32>
      tpu.vector_store_idx %arg13[%add3A_78], %all_reduce_population_count3A masked %eq3A_3 : memref<512xi32, #tpu.memory_space<vmem>>[vector<16xi32>], vector<16xi32>, vector<16xi1>
      %scan3A_79 = arith.constant 0 : i32
      scf.yield %scan3A_79 : i32
    }
    %scan3A_48 = arith.constant 512 : i32
    %scan3A_49 = arith.constant 0 : i32
    %scan3A_50 = arith.constant 0 : i32
    %scan3A_51 = arith.constant 0 : i32
    %scan3A_52 = arith.constant 32 : i32
    %scan3A_53 = arith.addi %scan3A_51, %scan3A_52 : i32
    %scan3A_54 = arith.constant 1 : i32
    %scan3A_55:2 = scf.for %scan3A_71 = %scan3A_51 to %scan3A_53 step %scan3A_54 iter_args(%scan3A_72 = %scan3A_49, %scan3A_73 = %scan3A_50) -> (i32, i32)  : i32 {
      %mul3A_74 = arith.constant 16 : i32
      %mul3A_75 = arith.muli %scan3A_71, %mul3A_74 : i32
      %get3A_76 = arith.index_cast %mul3A_75 : i32 to index
      %get3A_77 = tpu.vector_load %arg13[%get3A_76] {strides = array<i32>} : memref<512xi32, #tpu.memory_space<vmem>>, vector<16xi32>,
      %broadcast_in_dim3A_78 = arith.constant true
      %broadcast_in_dim3A_79 = vector.broadcast %broadcast_in_dim3A_78 : i1 to vector<16xi1>
      %masked_cumsum3A = tpu.scan <sum>, %get3A_77 masked %broadcast_in_dim3A_79 : vector<16xi32>, vector<16xi1> -> vector<16xi32>
      %add3A_80 = vector.broadcast %scan3A_72 : i32 to vector<16xi32>
      %add3A_81 = arith.addi %add3A_80, %masked_cumsum3A : vector<16xi32>
      %sub3A = arith.subi %add3A_81, %get3A_77 : vector<16xi32>
      %mul3A_82 = arith.constant 16 : i32
      %mul3A_83 = arith.muli %scan3A_71, %mul3A_82 : i32
      %swap3A = arith.index_cast %mul3A_83 : i32 to index
      %swap3A_84 = tpu.vector_load %arg14[%swap3A] {strides = array<i32>} : memref<512xi32, #tpu.memory_space<vmem>>, vector<16xi32>,
      tpu.vector_store %arg14[%swap3A], %sub3A {strides = array<i32>} : memref<512xi32, #tpu.memory_space<vmem>>, vector<16xi32>,
      %gt3A = arith.constant 0 : i32
      %gt3A_85 = vector.broadcast %gt3A : i32 to vector<16xi32>
      %gt3A_86 = arith.cmpi sgt, %get3A_77, %gt3A_85 : vector<16xi32>
      %convert_element_type3A = arith.extui %gt3A_86 : vector<16xi1> to vector<16xi32>
      %reduce_sum3A = arith.constant true
      %reduce_sum3A_87 = vector.broadcast %reduce_sum3A : i1 to vector<16xi1>
      %reduce_sum3A_88 = tpu.scan <sum>, %convert_element_type3A masked %reduce_sum3A_87 : vector<16xi32>, vector<16xi1> -> vector<16xi32>
      %reduce_sum3A_89 = vector.extract %reduce_sum3A_88[15] : i32 from vector<16xi32>
      %gt3A_90 = arith.constant 0 : i32
      %gt3A_91 = arith.cmpi sgt, %reduce_sum3A_89, %gt3A_90 : i32
      %convert_element_type3A_92 = arith.extui %gt3A_91 : i1 to i32
      %cond3A = arith.constant 0 : i32
      %cond3A_93 = arith.cmpi ne, %convert_element_type3A_92, %cond3A : i32
      scf.if %cond3A_93 {
        %broadcast_in_dim3A_100 = arith.constant true
        %broadcast_in_dim3A_101 = vector.broadcast %broadcast_in_dim3A_100 : i1 to vector<16xi1>
        %masked_cumsum3A_102 = tpu.scan <sum>, %convert_element_type3A masked %broadcast_in_dim3A_101 : vector<16xi32>, vector<16xi1> -> vector<16xi32>
        %add3A_103 = vector.broadcast %scan3A_73 : i32 to vector<16xi32>
        %add3A_104 = arith.addi %add3A_103, %masked_cumsum3A_102 : vector<16xi32>
        %sub3A_105 = arith.constant 1 : i32
        %sub3A_106 = vector.broadcast %sub3A_105 : i32 to vector<16xi32>
        %sub3A_107 = arith.subi %add3A_104, %sub3A_106 : vector<16xi32>
        %mul3A_108 = arith.constant 16 : i32
        %mul3A_109 = arith.muli %scan3A_71, %mul3A_108 : i32
        %add3A_110 = vector.broadcast %mul3A_109 : i32 to vector<16xi32>
        %add3A_111 = arith.addi %iota3A, %add3A_110 : vector<16xi32>
        %gt3A_112 = arith.constant 0 : i32
        %gt3A_113 = vector.broadcast %gt3A_112 : i32 to vector<16xi32>
        %gt3A_114 = arith.cmpi sgt, %get3A_77, %gt3A_113 : vector<16xi32>
        tpu.vector_store_idx %arg15[%sub3A_107], %add3A_111 masked %gt3A_114 : memref<512xi32, #tpu.memory_space<vmem>>[vector<16xi32>], vector<16xi32>, vector<16xi1>
      } else {
      }
      %reduce_sum3A_94 = arith.constant true
      %reduce_sum3A_95 = vector.broadcast %reduce_sum3A_94 : i1 to vector<16xi1>
      %reduce_sum3A_96 = tpu.scan <sum>, %get3A_77 masked %reduce_sum3A_95 : vector<16xi32>, vector<16xi1> -> vector<16xi32>
      %reduce_sum3A_97 = vector.extract %reduce_sum3A_96[15] : i32 from vector<16xi32>
      %add3A_98 = arith.addi %scan3A_72, %reduce_sum3A_97 : i32
      %add3A_99 = arith.addi %scan3A_73, %reduce_sum3A_89 : i32
      scf.yield %add3A_98, %add3A_99 : i32, i32
    }
    %scan3A_56 = arith.constant 32 : i32
    %while3A_57 = arith.constant 0 : i32
    %while3A_58 = arith.constant 0 : i32
    %while3A_59 = arith.subi %scan3A_55#1, %while3A_57 : i32
    %while3A_60 = arith.addi %while3A_57, %while3A_59 : i32
    %while3A_61 = arith.constant 1 : i32
    %while3A_62 = arith.divsi %while3A_59, %while3A_61 : i32
    %while3A_63 = arith.muli %while3A_62, %while3A_61 : i32
    %while3A_64 = arith.addi %while3A_57, %while3A_63 : i32
    %while3A_65 = arith.constant 1 : i32
    %while3A_66 = scf.for %while3A_71 = %while3A_57 to %while3A_64 step %while3A_65 iter_args(%while3A_72 = %while3A_58) -> (i32)  : i32 {
      %add3A_73 = vector.broadcast %while3A_71 : i32 to vector<16xi32>
      %add3A_74 = arith.addi %broadcast_in_dim3A_1, %add3A_73 : vector<16xi32>
      %gather3A = tpu.vector_load_idx %arg15[%add3A_74] : memref<512xi32, #tpu.memory_space<vmem>>[vector<16xi32>], vector<16xi32>,
      %mul3A_75 = arith.constant 16 : i32
      %mul3A_76 = vector.broadcast %mul3A_75 : i32 to vector<16xi32>
      %mul3A_77 = arith.muli %gather3A, %mul3A_76 : vector<16xi32>
      %add3A_78 = arith.addi %mul3A_77, %iota3A : vector<16xi32>
      %gather3A_79 = tpu.vector_load_idx %arg8[%add3A_78] : memref<8192xf32, #tpu.memory_space<vmem>>[vector<16xi32>], vector<16xf32>,
      %ge3A = arith.cmpf oge, %gather3A_79, %get3A_41 : vector<16xf32>
      %gather3A_80 = tpu.vector_load_idx %arg14[%gather3A] : memref<512xi32, #tpu.memory_space<vmem>>[vector<16xi32>], vector<16xi32>,
      %convert_element_type3A = arith.extui %ge3A : vector<16xi1> to vector<16xi32>
      %broadcast_in_dim3A_81 = arith.constant true
      %broadcast_in_dim3A_82 = vector.broadcast %broadcast_in_dim3A_81 : i1 to vector<16xi1>
      %masked_cumsum3A = tpu.scan <sum>, %convert_element_type3A masked %broadcast_in_dim3A_82 : vector<16xi32>, vector<16xi1> -> vector<16xi32>
      %add3A_83 = arith.addi %gather3A_80, %masked_cumsum3A : vector<16xi32>
      %sub3A = arith.constant 1 : i32
      %sub3A_84 = vector.broadcast %sub3A : i32 to vector<16xi32>
      %sub3A_85 = arith.subi %add3A_83, %sub3A_84 : vector<16xi32>
      %lt3A = arith.constant 128 : i32
      %lt3A_86 = vector.broadcast %lt3A : i32 to vector<16xi32>
      %lt3A_87 = arith.cmpi slt, %sub3A_85, %lt3A_86 : vector<16xi32>
      %and3A = arith.andi %ge3A, %lt3A_87 : vector<16xi1>
      tpu.vector_store_idx %arg10[%sub3A_85], %add3A_78 masked %and3A : memref<128xi32, #tpu.memory_space<vmem>>[vector<16xi32>], vector<16xi32>, vector<16xi1>
      tpu.vector_store_idx %arg11[%sub3A_85], %gather3A_79 masked %and3A : memref<128xf32, #tpu.memory_space<vmem>>[vector<16xi32>], vector<16xf32>, vector<16xi1>
      %while3A_88 = arith.constant 0 : i32
      scf.yield %while3A_88 : i32
    }
    %while3A_67 = arith.constant 1 : i32
    %while3A_68 = scf.for %while3A_71 = %while3A_64 to %while3A_60 step %while3A_67 iter_args(%while3A_72 = %while3A_66) -> (i32)  : i32 {
      %add3A_73 = vector.broadcast %while3A_71 : i32 to vector<16xi32>
      %add3A_74 = arith.addi %broadcast_in_dim3A_1, %add3A_73 : vector<16xi32>
      %gather3A = tpu.vector_load_idx %arg15[%add3A_74] : memref<512xi32, #tpu.memory_space<vmem>>[vector<16xi32>], vector<16xi32>,
      %mul3A_75 = arith.constant 16 : i32
      %mul3A_76 = vector.broadcast %mul3A_75 : i32 to vector<16xi32>
      %mul3A_77 = arith.muli %gather3A, %mul3A_76 : vector<16xi32>
      %add3A_78 = arith.addi %mul3A_77, %iota3A : vector<16xi32>
      %gather3A_79 = tpu.vector_load_idx %arg8[%add3A_78] : memref<8192xf32, #tpu.memory_space<vmem>>[vector<16xi32>], vector<16xf32>,
      %ge3A = arith.cmpf oge, %gather3A_79, %get3A_41 : vector<16xf32>
      %gather3A_80 = tpu.vector_load_idx %arg14[%gather3A] : memref<512xi32, #tpu.memory_space<vmem>>[vector<16xi32>], vector<16xi32>,
      %convert_element_type3A = arith.extui %ge3A : vector<16xi1> to vector<16xi32>
      %broadcast_in_dim3A_81 = arith.constant true
      %broadcast_in_dim3A_82 = vector.broadcast %broadcast_in_dim3A_81 : i1 to vector<16xi1>
      %masked_cumsum3A = tpu.scan <sum>, %convert_element_type3A masked %broadcast_in_dim3A_82 : vector<16xi32>, vector<16xi1> -> vector<16xi32>
      %add3A_83 = arith.addi %gather3A_80, %masked_cumsum3A : vector<16xi32>
      %sub3A = arith.constant 1 : i32
      %sub3A_84 = vector.broadcast %sub3A : i32 to vector<16xi32>
      %sub3A_85 = arith.subi %add3A_83, %sub3A_84 : vector<16xi32>
      %lt3A = arith.constant 128 : i32
      %lt3A_86 = vector.broadcast %lt3A : i32 to vector<16xi32>
      %lt3A_87 = arith.cmpi slt, %sub3A_85, %lt3A_86 : vector<16xi32>
      %and3A = arith.andi %ge3A, %lt3A_87 : vector<16xi1>
      tpu.vector_store_idx %arg10[%sub3A_85], %add3A_78 masked %and3A : memref<128xi32, #tpu.memory_space<vmem>>[vector<16xi32>], vector<16xi32>, vector<16xi1>
      tpu.vector_store_idx %arg11[%sub3A_85], %gather3A_79 masked %and3A : memref<128xf32, #tpu.memory_space<vmem>>[vector<16xi32>], vector<16xf32>, vector<16xi1>
      %while3A_88 = arith.constant 0 : i32
      scf.yield %while3A_88 : i32
    }
    "tpu.region"() ({
      %run_scoped3A = tpu.sem_alloc : memref<!tpu.dma_semaphore, #tpu.memory_space<semaphore_mem>>
      %dma_start3A = arith.constant 0 : i32
      %dma_start3A_71 = arith.constant 0 : i32
      %dma_start3A_72 = tpu.memref_slice %arg4[%dma_start3A, %dma_start3A_71] : memref<8192x768xf32, #tpu.memory_space<hbm>> -> memref<8192x768xf32, #tpu.memory_space<hbm>>
      tpu.enqueue_indirect_dma source(%dma_start3A_72 : memref<8192x768xf32, #tpu.memory_space<hbm>>) target(%arg12 : memref<128x768xf32, #tpu.memory_space<vmem>>) offsets(%arg10 : memref<128xi32, #tpu.memory_space<vmem>>) semaphore(%run_scoped3A : memref<!tpu.dma_semaphore, #tpu.memory_space<semaphore_mem>>)
      %dma_wait3A = arith.constant 0 : i32
      %dma_wait3A_73 = arith.constant 0 : i32
      %dma_wait3A_74 = tpu.memref_slice %arg4[%dma_wait3A, %dma_wait3A_73] : memref<8192x768xf32, #tpu.memory_space<hbm>> -> memref<8192x768xf32, #tpu.memory_space<hbm>>
      tpu.wait_indirect_dma semaphore(%run_scoped3A : memref<!tpu.dma_semaphore, #tpu.memory_space<semaphore_mem>>) src(%dma_wait3A_74 : memref<8192x768xf32, #tpu.memory_space<hbm>>) dst(%arg12 : memref<128x768xf32, #tpu.memory_space<vmem>>)
      tpu.yield
    }) : () -> ()
    %mul3A_69 = arith.constant 128 : i32
    %mul3A_70 = arith.muli %add3A_39, %mul3A_69 : i32
    "tpu.region"() ({
      %run_scoped3A = tpu.sem_alloc : memref<!tpu.dma_semaphore, #tpu.memory_space<semaphore_mem>>
      %dma_start3A = arith.constant 0 : i32
      %dma_start3A_71 = tpu.memref_slice %arg7[%mul3A_70, %dma_start3A] : memref<8192x768xf32, #tpu.memory_space<hbm>> -> memref<128x768xf32, #tpu.memory_space<hbm>>
      %dma_start3A_72 = arith.constant 0 : i32
      %dma_start3A_73 = tpu.memref_slice %arg7[%mul3A_70, %dma_start3A_72] : memref<8192x768xf32, #tpu.memory_space<hbm>> -> memref<128x768xf32, #tpu.memory_space<hbm>>
      tpu.enqueue_dma source(%arg12 : memref<128x768xf32, #tpu.memory_space<vmem>>) target(%dma_start3A_73 : memref<128x768xf32, #tpu.memory_space<hbm>>) target_semaphore(%run_scoped3A : memref<!tpu.dma_semaphore, #tpu.memory_space<semaphore_mem>>)
      %dma_wait3A = arith.constant 0 : i32
      %dma_wait3A_74 = tpu.memref_slice %arg7[%mul3A_70, %dma_wait3A] : memref<8192x768xf32, #tpu.memory_space<hbm>> -> memref<128x768xf32, #tpu.memory_space<hbm>>
      %dma_wait3A_75 = arith.constant 0 : i32
      %dma_wait3A_76 = tpu.memref_slice %arg7[%mul3A_70, %dma_wait3A_75] : memref<8192x768xf32, #tpu.memory_space<hbm>> -> memref<128x768xf32, #tpu.memory_space<hbm>>
      tpu.wait_dma2 semaphore(%run_scoped3A : memref<!tpu.dma_semaphore, #tpu.memory_space<semaphore_mem>>) src(%arg12 : memref<128x768xf32, #tpu.memory_space<vmem>>) dst(%dma_wait3A_76 : memref<128x768xf32, #tpu.memory_space<hbm>>)
      tpu.yield
    }) : () -> ()
    "tpu.region"() ({
      %run_scoped3A = tpu.sem_alloc : memref<!tpu.dma_semaphore, #tpu.memory_space<semaphore_mem>>
      %dma_start3A = arith.constant 0 : i32
      %dma_start3A_71 = tpu.memref_slice %arg5[%add3A_39, %dma_start3A] : memref<64x128xi32, #tpu.memory_space<hbm>> -> memref<1x128xi32, #tpu.memory_space<hbm>>
      %dma_start3A_72 = tpu.memref_squeeze %dma_start3A_71 : memref<1x128xi32, #tpu.memory_space<hbm>> -> memref<128xi32, #tpu.memory_space<hbm>>
      %dma_start3A_73 = arith.constant 0 : i32
      %dma_start3A_74 = tpu.memref_slice %arg5[%add3A_39, %dma_start3A_73] : memref<64x128xi32, #tpu.memory_space<hbm>> -> memref<1x128xi32, #tpu.memory_space<hbm>>
      %dma_start3A_75 = tpu.memref_squeeze %dma_start3A_74 : memref<1x128xi32, #tpu.memory_space<hbm>> -> memref<128xi32, #tpu.memory_space<hbm>>
      tpu.enqueue_dma source(%arg10 : memref<128xi32, #tpu.memory_space<vmem>>) target(%dma_start3A_75 : memref<128xi32, #tpu.memory_space<hbm>>) target_semaphore(%run_scoped3A : memref<!tpu.dma_semaphore, #tpu.memory_space<semaphore_mem>>)
      %dma_wait3A = arith.constant 0 : i32
      %dma_wait3A_76 = tpu.memref_slice %arg5[%add3A_39, %dma_wait3A] : memref<64x128xi32, #tpu.memory_space<hbm>> -> memref<1x128xi32, #tpu.memory_space<hbm>>
      %dma_wait3A_77 = tpu.memref_squeeze %dma_wait3A_76 : memref<1x128xi32, #tpu.memory_space<hbm>> -> memref<128xi32, #tpu.memory_space<hbm>>
      %dma_wait3A_78 = arith.constant 0 : i32
      %dma_wait3A_79 = tpu.memref_slice %arg5[%add3A_39, %dma_wait3A_78] : memref<64x128xi32, #tpu.memory_space<hbm>> -> memref<1x128xi32, #tpu.memory_space<hbm>>
      %dma_wait3A_80 = tpu.memref_squeeze %dma_wait3A_79 : memref<1x128xi32, #tpu.memory_space<hbm>> -> memref<128xi32, #tpu.memory_space<hbm>>
      tpu.wait_dma2 semaphore(%run_scoped3A : memref<!tpu.dma_semaphore, #tpu.memory_space<semaphore_mem>>) src(%arg10 : memref<128xi32, #tpu.memory_space<vmem>>) dst(%dma_wait3A_80 : memref<128xi32, #tpu.memory_space<hbm>>)
      tpu.yield
    }) : () -> ()
    "tpu.region"() ({
      %run_scoped3A = tpu.sem_alloc : memref<!tpu.dma_semaphore, #tpu.memory_space<semaphore_mem>>
      %dma_start3A = arith.constant 0 : i32
      %dma_start3A_71 = tpu.memref_slice %arg6[%add3A_39, %dma_start3A] : memref<64x128xf32, #tpu.memory_space<hbm>> -> memref<1x128xf32, #tpu.memory_space<hbm>>
      %dma_start3A_72 = tpu.memref_squeeze %dma_start3A_71 : memref<1x128xf32, #tpu.memory_space<hbm>> -> memref<128xf32, #tpu.memory_space<hbm>>
      %dma_start3A_73 = arith.constant 0 : i32
      %dma_start3A_74 = tpu.memref_slice %arg6[%add3A_39, %dma_start3A_73] : memref<64x128xf32, #tpu.memory_space<hbm>> -> memref<1x128xf32, #tpu.memory_space<hbm>>
      %dma_start3A_75 = tpu.memref_squeeze %dma_start3A_74 : memref<1x128xf32, #tpu.memory_space<hbm>> -> memref<128xf32, #tpu.memory_space<hbm>>
      tpu.enqueue_dma source(%arg11 : memref<128xf32, #tpu.memory_space<vmem>>) target(%dma_start3A_75 : memref<128xf32, #tpu.memory_space<hbm>>) target_semaphore(%run_scoped3A : memref<!tpu.dma_semaphore, #tpu.memory_space<semaphore_mem>>)
      %dma_wait3A = arith.constant 0 : i32
      %dma_wait3A_76 = tpu.memref_slice %arg6[%add3A_39, %dma_wait3A] : memref<64x128xf32, #tpu.memory_space<hbm>> -> memref<1x128xf32, #tpu.memory_space<hbm>>
      %dma_wait3A_77 = tpu.memref_squeeze %dma_wait3A_76 : memref<1x128xf32, #tpu.memory_space<hbm>> -> memref<128xf32, #tpu.memory_space<hbm>>
      %dma_wait3A_78 = arith.constant 0 : i32
      %dma_wait3A_79 = tpu.memref_slice %arg6[%add3A_39, %dma_wait3A_78] : memref<64x128xf32, #tpu.memory_space<hbm>> -> memref<1x128xf32, #tpu.memory_space<hbm>>
      %dma_wait3A_80 = tpu.memref_squeeze %dma_wait3A_79 : memref<1x128xf32, #tpu.memory_space<hbm>> -> memref<128xf32, #tpu.memory_space<hbm>>
      tpu.wait_dma2 semaphore(%run_scoped3A : memref<!tpu.dma_semaphore, #tpu.memory_space<semaphore_mem>>) src(%arg11 : memref<128xf32, #tpu.memory_space<vmem>>) dst(%dma_wait3A_80 : memref<128xf32, #tpu.memory_space<hbm>>)
      tpu.yield
    }) : () -> ()
    return
  }
}

module attributes {stable_mosaic.version = 14 : i64} {
  func.func @_router_body(%arg0: i32, %arg1: memref<512x768xf32, #tpu.memory_space<vmem>>, %arg2: memref<768x64xf32, #tpu.memory_space<vmem>>, %arg3: memref<64x8192xf32, #tpu.memory_space<vmem>>, %arg4: memref<64x16xf32, #tpu.memory_space<vmem>>) attributes {dimension_semantics = [#tpu.dimension_semantics<arbitrary>], iteration_bounds = array<i64: 17>, scalar_prefetch = 0 : i64, scratch_operands = 0 : i64, tpu.core_type = #tpu.core_type<tc>, window_params = [{transform_indices = @transform_0, window_bounds = array<i64: 512, 768>}, {pipeline_mode = #tpu.pipeline_mode<synchronous>, transform_indices = @transform_1, window_bounds = array<i64: 768, 64>}, {pipeline_mode = #tpu.pipeline_mode<synchronous>, transform_indices = @transform_2, window_bounds = array<i64: 64, 8192>}, {pipeline_mode = #tpu.pipeline_mode<synchronous>, transform_indices = @transform_3, window_bounds = array<i64: 64, 16>}]} {
    %lt3A = arith.constant 16 : i32
    %lt3A_0 = arith.cmpi slt, %arg0, %lt3A : i32
    %convert_element_type3A = arith.extui %lt3A_0 : i1 to i32
    %cond3A = arith.constant 0 : i32
    %cond3A_1 = arith.cmpi ne, %convert_element_type3A, %cond3A : i32
    scf.if %cond3A_1 {
      %get3A = arith.constant 0 : index
      %get3A_6 = arith.constant 0 : index
      %get3A_7 = vector.load %arg1[%get3A, %get3A_6] : memref<512x768xf32, #tpu.memory_space<vmem>>, vector<512x768xf32>
      %get3A_8 = arith.constant 0 : index
      %get3A_9 = arith.constant 0 : index
      %get3A_10 = vector.load %arg2[%get3A_8, %get3A_9] : memref<768x64xf32, #tpu.memory_space<vmem>>, vector<768x64xf32>
      %dot_general3A = arith.constant dense<0.000000e+00> : vector<64x512xf32>
      %dot_general3A_11 = tpu.matmul %get3A_10, %get3A_7, %dot_general3A {dimension_numbers = #tpu.dot_dimension_numbers<[0], [1], [1], [0], [0, 1, 1, 0], [], []>, transpose_lhs_hint = false} : vector<768x64xf32>, vector<512x768xf32>, vector<64x512xf32> -> vector<64x512xf32>
      %reduce_max3A = arith.constant dense<0xFF800000> : vector<512xf32>
      %reduce_max3A_12 = vector.multi_reduction <maximumf>, %dot_general3A_11, %reduce_max3A [0] : vector<64x512xf32> to vector<512xf32>
      %broadcast_in_dim3A = vector.shape_cast %reduce_max3A_12 : vector<512xf32> to vector<1x512xf32>
      %sub3A = vector.broadcast %broadcast_in_dim3A : vector<1x512xf32> to vector<64x512xf32>
      %sub3A_13 = arith.subf %dot_general3A_11, %sub3A : vector<64x512xf32>
      %exp3A = math.exp %sub3A_13 : vector<64x512xf32>
      %reduce_sum3A = arith.constant dense<0.000000e+00> : vector<512xf32>
      %reduce_sum3A_14 = vector.multi_reduction <add>, %exp3A, %reduce_sum3A [0] : vector<64x512xf32> to vector<512xf32>
      %broadcast_in_dim3A_15 = vector.shape_cast %reduce_sum3A_14 : vector<512xf32> to vector<1x512xf32>
      %div3A = vector.broadcast %broadcast_in_dim3A_15 : vector<1x512xf32> to vector<64x512xf32>
      %div3A_16 = arith.divf %exp3A, %div3A : vector<64x512xf32>
      %mul3A = arith.constant 512 : i32
      %mul3A_17 = arith.muli %arg0, %mul3A : i32
      %swap3A = arith.constant 0 : index
      %swap3A_18 = arith.index_cast %mul3A_17 : i32 to index
      %swap3A_19 = vector.load %arg3[%swap3A, %swap3A_18] : memref<64x8192xf32, #tpu.memory_space<vmem>>, vector<64x512xf32>
      tpu.vector_store %arg3[%swap3A, %swap3A_18], %div3A_16 {strides = array<i32>} : memref<64x8192xf32, #tpu.memory_space<vmem>>, vector<64x512xf32>,
    } else {
    }
    %eq3A = arith.constant 16 : i32
    %eq3A_2 = arith.cmpi eq, %arg0, %eq3A : i32
    %convert_element_type3A_3 = arith.extui %eq3A_2 : i1 to i32
    %cond3A_4 = arith.constant 0 : i32
    %cond3A_5 = arith.cmpi ne, %convert_element_type3A_3, %cond3A_4 : i32
    scf.if %cond3A_5 {
      %get3A = arith.constant 0 : index
      %get3A_6 = arith.constant 0 : index
      %get3A_7 = vector.load %arg3[%get3A, %get3A_6] : memref<64x8192xf32, #tpu.memory_space<vmem>>, vector<64x8192xf32>
      %bitcast3A = tpu.bitcast %get3A_7 : vector<64x8192xf32> -> vector<64x8192xi32>
      %broadcast_in_dim3A = arith.constant 0 : i32
      %broadcast_in_dim3A_8 = vector.broadcast %broadcast_in_dim3A : i32 to vector<64x1xi32>
      %broadcast_in_dim3A_9 = arith.constant 1065353216 : i32
      %broadcast_in_dim3A_10 = vector.broadcast %broadcast_in_dim3A_9 : i32 to vector<64x1xi32>
      %scan3A = arith.constant 0 : i32
      %scan3A_11 = arith.constant 31 : i32
      %scan3A_12 = arith.addi %scan3A, %scan3A_11 : i32
      %scan3A_13 = arith.constant 1 : i32
      %scan3A_14:2 = scf.for %scan3A_20 = %scan3A to %scan3A_12 step %scan3A_13 iter_args(%scan3A_21 = %broadcast_in_dim3A_8, %scan3A_22 = %broadcast_in_dim3A_10) -> (vector<64x1xi32>, vector<64x1xi32>)  : i32 {
        %add3A = arith.addi %scan3A_21, %scan3A_22 : vector<64x1xi32>
        %add3A_23 = arith.constant 1 : i32
        %add3A_24 = vector.broadcast %add3A_23 : i32 to vector<64x1xi32>
        %add3A_25 = arith.addi %add3A, %add3A_24 : vector<64x1xi32>
        %shift_right_arithmetic3A = arith.constant 1 : i32
        %shift_right_arithmetic3A_26 = vector.broadcast %shift_right_arithmetic3A : i32 to vector<64x1xi32>
        %shift_right_arithmetic3A_27 = arith.shrsi %add3A_25, %shift_right_arithmetic3A_26 : vector<64x1xi32>
        %ge3A = vector.broadcast %shift_right_arithmetic3A_27 : vector<64x1xi32> to vector<64x8192xi32>
        %ge3A_28 = arith.cmpi sge, %bitcast3A, %ge3A : vector<64x8192xi32>
        %convert_element_type3A_29 = arith.extui %ge3A_28 : vector<64x8192xi1> to vector<64x8192xi32>
        %reduce_sum3A = arith.constant dense<0> : vector<64xi32>
        %reduce_sum3A_30 = vector.multi_reduction <add>, %convert_element_type3A_29, %reduce_sum3A [1] : vector<64x8192xi32> to vector<64xi32>
        %broadcast_in_dim3A_31 = vector.shape_cast %reduce_sum3A_30 : vector<64xi32> to vector<64x1xi32>
        %ge3A_32 = arith.constant 128 : i32
        %ge3A_33 = vector.broadcast %ge3A_32 : i32 to vector<64x1xi32>
        %ge3A_34 = arith.cmpi sge, %broadcast_in_dim3A_31, %ge3A_33 : vector<64x1xi32>
        %select_n3A = arith.select %ge3A_34, %shift_right_arithmetic3A_27, %scan3A_21 : vector<64x1xi1>, vector<64x1xi32>
        %sub3A = arith.constant 1 : i32
        %sub3A_35 = vector.broadcast %sub3A : i32 to vector<64x1xi32>
        %sub3A_36 = arith.subi %shift_right_arithmetic3A_27, %sub3A_35 : vector<64x1xi32>
        %select_n3A_37 = arith.select %ge3A_34, %scan3A_22, %sub3A_36 : vector<64x1xi1>, vector<64x1xi32>
        scf.yield %select_n3A, %select_n3A_37 : vector<64x1xi32>, vector<64x1xi32>
      }
      %broadcast_in_dim3A_15 = vector.shape_cast %scan3A_14#0 : vector<64x1xi32> to vector<64x1xi32>
      %broadcast_in_dim3A_16 = vector.broadcast %broadcast_in_dim3A_15 : vector<64x1xi32> to vector<64x16xi32>
      %bitcast3A_17 = tpu.bitcast %broadcast_in_dim3A_16 : vector<64x16xi32> -> vector<64x16xf32>
      %swap3A = arith.constant 0 : index
      %swap3A_18 = arith.constant 0 : index
      %swap3A_19 = vector.load %arg4[%swap3A, %swap3A_18] : memref<64x16xf32, #tpu.memory_space<vmem>>, vector<64x16xf32>
      tpu.vector_store %arg4[%swap3A, %swap3A_18], %bitcast3A_17 {strides = array<i32>} : memref<64x16xf32, #tpu.memory_space<vmem>>, vector<64x16xf32>,
    } else {
    }
    return
  }
  func.func @transform_0(%arg0: i32) -> (i32, i32) {
    %min3A = arith.constant 15 : i32
    %min3A_0 = arith.minsi %arg0, %min3A : i32
    %c0_i32 = arith.constant 0 : i32
    %c0_i32_1 = arith.constant 0 : i32
    return %min3A_0, %c0_i32 : i32, i32
  }
  func.func @transform_1(%arg0: i32) -> (i32, i32) {
    %c0_i32 = arith.constant 0 : i32
    %c0_i32_0 = arith.constant 0 : i32
    %c0_i32_1 = arith.constant 0 : i32
    return %c0_i32, %c0_i32_0 : i32, i32
  }
  func.func @transform_2(%arg0: i32) -> (i32, i32) {
    %c0_i32 = arith.constant 0 : i32
    %c0_i32_0 = arith.constant 0 : i32
    %c0_i32_1 = arith.constant 0 : i32
    return %c0_i32, %c0_i32_0 : i32, i32
  }
  func.func @transform_3(%arg0: i32) -> (i32, i32) {
    %c0_i32 = arith.constant 0 : i32
    %c0_i32_0 = arith.constant 0 : i32
    %c0_i32_1 = arith.constant 0 : i32
    return %c0_i32, %c0_i32_0 : i32, i32
  }
}

module attributes {stable_mosaic.version = 14 : i64} {
  func.func @_ffn_body(%arg0: i32, %arg1: memref<128x768xf32, #tpu.memory_space<vmem>>, %arg2: memref<1x768x3072xf32, #tpu.memory_space<vmem>>, %arg3: memref<1x1x3072xf32, #tpu.memory_space<vmem>>, %arg4: memref<1x3072x768xf32, #tpu.memory_space<vmem>>, %arg5: memref<1x1x768xf32, #tpu.memory_space<vmem>>, %arg6: memref<128x1xf32, #tpu.memory_space<vmem>>, %arg7: memref<128x768xf32, #tpu.memory_space<vmem>>, %arg8: memref<768x3072xbf16, #tpu.memory_space<vmem>>, %arg9: memref<1x3072xf32, #tpu.memory_space<vmem>>, %arg10: memref<3072x768xbf16, #tpu.memory_space<vmem>>, %arg11: memref<1x768xf32, #tpu.memory_space<vmem>>, %arg12: memref<128x768xbf16, #tpu.memory_space<vmem>>, %arg13: memref<128x768xf32, #tpu.memory_space<vmem>>) attributes {dimension_semantics = [#tpu.dimension_semantics<arbitrary>], iteration_bounds = array<i64: 64>, scalar_prefetch = 0 : i64, scratch_operands = 0 : i64, tpu.core_type = #tpu.core_type<tc>, window_params = [{transform_indices = @transform_0, window_bounds = array<i64: 128, 768>}, {transform_indices = @transform_1, window_bounds = array<i64: 1, 768, 3072>}, {transform_indices = @transform_2, window_bounds = array<i64: 1, 1, 3072>}, {transform_indices = @transform_3, window_bounds = array<i64: 1, 3072, 768>}, {transform_indices = @transform_4, window_bounds = array<i64: 1, 1, 768>}, {transform_indices = @transform_5, window_bounds = array<i64: 128, 1>}, {transform_indices = @transform_6, window_bounds = array<i64: 128, 768>}, {pipeline_mode = #tpu.pipeline_mode<synchronous>, transform_indices = @transform_7, window_bounds = array<i64: 768, 3072>}, {pipeline_mode = #tpu.pipeline_mode<synchronous>, transform_indices = @transform_8, window_bounds = array<i64: 1, 3072>}, {pipeline_mode = #tpu.pipeline_mode<synchronous>, transform_indices = @transform_9, window_bounds = array<i64: 3072, 768>}, {pipeline_mode = #tpu.pipeline_mode<synchronous>, transform_indices = @transform_10, window_bounds = array<i64: 1, 768>}, {transform_indices = @transform_11, window_bounds = array<i64: 128, 768>}, {transform_indices = @transform_12, window_bounds = array<i64: 128, 768>}]} {
    %get3A = arith.constant 0 : index
    %get3A_0 = arith.constant 0 : index
    %get3A_1 = vector.load %arg1[%get3A, %get3A_0] : memref<128x768xf32, #tpu.memory_space<vmem>>, vector<128x768xf32>
    %convert_element_type3A = arith.truncf %get3A_1 : vector<128x768xf32> to vector<128x768xbf16>
    %get3A_2 = arith.constant 0 : index
    %get3A_3 = arith.constant 0 : index
    %get3A_4 = arith.constant 0 : index
    %get3A_5 = vector.load %arg2[%get3A_2, %get3A_3, %get3A_4] : memref<1x768x3072xf32, #tpu.memory_space<vmem>>, vector<1x768x3072xf32>
    %get3A_6 = vector.shape_cast %get3A_5 : vector<1x768x3072xf32> to vector<768x3072xf32>
    %convert_element_type3A_7 = arith.truncf %get3A_6 : vector<768x3072xf32> to vector<768x3072xbf16>
    %dot_general3A = arith.constant dense<0.000000e+00> : vector<128x3072xf32>
    %dot_general3A_8 = tpu.matmul %convert_element_type3A, %convert_element_type3A_7, %dot_general3A {dimension_numbers = #tpu.dot_dimension_numbers<[1], [0], [0], [1], [0, 0, 1, 1], [], []>, transpose_lhs_hint = false} : vector<128x768xbf16>, vector<768x3072xbf16>, vector<128x3072xf32> -> vector<128x3072xf32>
    %get3A_9 = arith.constant 0 : index
    %get3A_10 = arith.constant 0 : index
    %get3A_11 = arith.constant 0 : index
    %get3A_12 = vector.load %arg3[%get3A_9, %get3A_10, %get3A_11] : memref<1x1x3072xf32, #tpu.memory_space<vmem>>, vector<1x1x3072xf32>
    %get3A_13 = vector.shape_cast %get3A_12 : vector<1x1x3072xf32> to vector<1x3072xf32>
    %add3A = vector.broadcast %get3A_13 : vector<1x3072xf32> to vector<128x3072xf32>
    %add3A_14 = arith.addf %dot_general3A_8, %add3A : vector<128x3072xf32>
    %integer_pow3A = arith.mulf %add3A_14, %add3A_14 : vector<128x3072xf32>
    %integer_pow3A_15 = arith.mulf %add3A_14, %integer_pow3A : vector<128x3072xf32>
    %mul3A = arith.constant 4.471500e-02 : f32
    %mul3A_16 = vector.broadcast %mul3A : f32 to vector<128x3072xf32>
    %mul3A_17 = arith.mulf %mul3A_16, %integer_pow3A_15 : vector<128x3072xf32>
    %add3A_18 = arith.addf %add3A_14, %mul3A_17 : vector<128x3072xf32>
    %mul3A_19 = arith.constant 0.797884583 : f32
    %mul3A_20 = vector.broadcast %mul3A_19 : f32 to vector<128x3072xf32>
    %mul3A_21 = arith.mulf %mul3A_20, %add3A_18 : vector<128x3072xf32>
    %tanh3A = math.tanh %mul3A_21 : vector<128x3072xf32>
    %add3A_22 = arith.constant 1.000000e+00 : f32
    %add3A_23 = vector.broadcast %add3A_22 : f32 to vector<128x3072xf32>
    %add3A_24 = arith.addf %add3A_23, %tanh3A : vector<128x3072xf32>
    %mul3A_25 = arith.constant 5.000000e-01 : f32
    %mul3A_26 = vector.broadcast %mul3A_25 : f32 to vector<128x3072xf32>
    %mul3A_27 = arith.mulf %mul3A_26, %add3A_24 : vector<128x3072xf32>
    %mul3A_28 = arith.mulf %add3A_14, %mul3A_27 : vector<128x3072xf32>
    %convert_element_type3A_29 = arith.truncf %mul3A_28 : vector<128x3072xf32> to vector<128x3072xbf16>
    %get3A_30 = arith.constant 0 : index
    %get3A_31 = arith.constant 0 : index
    %get3A_32 = arith.constant 0 : index
    %get3A_33 = vector.load %arg4[%get3A_30, %get3A_31, %get3A_32] : memref<1x3072x768xf32, #tpu.memory_space<vmem>>, vector<1x3072x768xf32>
    %get3A_34 = vector.shape_cast %get3A_33 : vector<1x3072x768xf32> to vector<3072x768xf32>
    %convert_element_type3A_35 = arith.truncf %get3A_34 : vector<3072x768xf32> to vector<3072x768xbf16>
    %dot_general3A_36 = arith.constant dense<0.000000e+00> : vector<128x768xf32>
    %dot_general3A_37 = tpu.matmul %convert_element_type3A_29, %convert_element_type3A_35, %dot_general3A_36 {dimension_numbers = #tpu.dot_dimension_numbers<[1], [0], [0], [1], [0, 0, 1, 1], [], []>, transpose_lhs_hint = false} : vector<128x3072xbf16>, vector<3072x768xbf16>, vector<128x768xf32> -> vector<128x768xf32>
    %get3A_38 = arith.constant 0 : index
    %get3A_39 = arith.constant 0 : index
    %get3A_40 = arith.constant 0 : index
    %get3A_41 = vector.load %arg5[%get3A_38, %get3A_39, %get3A_40] : memref<1x1x768xf32, #tpu.memory_space<vmem>>, vector<1x1x768xf32>
    %get3A_42 = vector.shape_cast %get3A_41 : vector<1x1x768xf32> to vector<1x768xf32>
    %add3A_43 = vector.broadcast %get3A_42 : vector<1x768xf32> to vector<128x768xf32>
    %add3A_44 = arith.addf %dot_general3A_37, %add3A_43 : vector<128x768xf32>
    %get3A_45 = arith.constant 0 : index
    %get3A_46 = arith.constant 0 : index
    %get3A_47 = vector.load %arg6[%get3A_45, %get3A_46] : memref<128x1xf32, #tpu.memory_space<vmem>>, vector<128x1xf32>
    %mul3A_48 = vector.broadcast %get3A_47 : vector<128x1xf32> to vector<128x768xf32>
    %mul3A_49 = arith.mulf %add3A_44, %mul3A_48 : vector<128x768xf32>
    %convert_element_type3A_50 = arith.truncf %mul3A_49 : vector<128x768xf32> to vector<128x768xbf16>
    %swap3A = arith.constant 0 : index
    %swap3A_51 = arith.constant 0 : index
    %swap3A_52 = vector.load %arg12[%swap3A, %swap3A_51] : memref<128x768xbf16, #tpu.memory_space<vmem>>, vector<128x768xbf16>
    tpu.vector_store %arg12[%swap3A, %swap3A_51], %convert_element_type3A_50 {strides = array<i32>} : memref<128x768xbf16, #tpu.memory_space<vmem>>, vector<128x768xbf16>,
    %get3A_53 = arith.constant 0 : index
    %get3A_54 = arith.constant 0 : index
    %get3A_55 = vector.load %arg7[%get3A_53, %get3A_54] : memref<128x768xf32, #tpu.memory_space<vmem>>, vector<128x768xf32>
    %convert_element_type3A_56 = arith.truncf %get3A_55 : vector<128x768xf32> to vector<128x768xbf16>
    %get3A_57 = arith.constant 0 : index
    %get3A_58 = arith.constant 0 : index
    %get3A_59 = vector.load %arg8[%get3A_57, %get3A_58] : memref<768x3072xbf16, #tpu.memory_space<vmem>>, vector<768x3072xbf16>
    %dot_general3A_60 = arith.constant dense<0.000000e+00> : vector<128x3072xf32>
    %dot_general3A_61 = tpu.matmul %convert_element_type3A_56, %get3A_59, %dot_general3A_60 {dimension_numbers = #tpu.dot_dimension_numbers<[1], [0], [0], [1], [0, 0, 1, 1], [], []>, transpose_lhs_hint = false} : vector<128x768xbf16>, vector<768x3072xbf16>, vector<128x3072xf32> -> vector<128x3072xf32>
    %get3A_62 = arith.constant 0 : index
    %get3A_63 = arith.constant 0 : index
    %get3A_64 = vector.load %arg9[%get3A_62, %get3A_63] : memref<1x3072xf32, #tpu.memory_space<vmem>>, vector<1x3072xf32>
    %add3A_65 = vector.broadcast %get3A_64 : vector<1x3072xf32> to vector<128x3072xf32>
    %add3A_66 = arith.addf %dot_general3A_61, %add3A_65 : vector<128x3072xf32>
    %integer_pow3A_67 = arith.mulf %add3A_66, %add3A_66 : vector<128x3072xf32>
    %integer_pow3A_68 = arith.mulf %add3A_66, %integer_pow3A_67 : vector<128x3072xf32>
    %mul3A_69 = arith.constant 4.471500e-02 : f32
    %mul3A_70 = vector.broadcast %mul3A_69 : f32 to vector<128x3072xf32>
    %mul3A_71 = arith.mulf %mul3A_70, %integer_pow3A_68 : vector<128x3072xf32>
    %add3A_72 = arith.addf %add3A_66, %mul3A_71 : vector<128x3072xf32>
    %mul3A_73 = arith.constant 0.797884583 : f32
    %mul3A_74 = vector.broadcast %mul3A_73 : f32 to vector<128x3072xf32>
    %mul3A_75 = arith.mulf %mul3A_74, %add3A_72 : vector<128x3072xf32>
    %tanh3A_76 = math.tanh %mul3A_75 : vector<128x3072xf32>
    %add3A_77 = arith.constant 1.000000e+00 : f32
    %add3A_78 = vector.broadcast %add3A_77 : f32 to vector<128x3072xf32>
    %add3A_79 = arith.addf %add3A_78, %tanh3A_76 : vector<128x3072xf32>
    %mul3A_80 = arith.constant 5.000000e-01 : f32
    %mul3A_81 = vector.broadcast %mul3A_80 : f32 to vector<128x3072xf32>
    %mul3A_82 = arith.mulf %mul3A_81, %add3A_79 : vector<128x3072xf32>
    %mul3A_83 = arith.mulf %add3A_66, %mul3A_82 : vector<128x3072xf32>
    %convert_element_type3A_84 = arith.truncf %mul3A_83 : vector<128x3072xf32> to vector<128x3072xbf16>
    %get3A_85 = arith.constant 0 : index
    %get3A_86 = arith.constant 0 : index
    %get3A_87 = vector.load %arg10[%get3A_85, %get3A_86] : memref<3072x768xbf16, #tpu.memory_space<vmem>>, vector<3072x768xbf16>
    %dot_general3A_88 = arith.constant dense<0.000000e+00> : vector<128x768xf32>
    %dot_general3A_89 = tpu.matmul %convert_element_type3A_84, %get3A_87, %dot_general3A_88 {dimension_numbers = #tpu.dot_dimension_numbers<[1], [0], [0], [1], [0, 0, 1, 1], [], []>, transpose_lhs_hint = false} : vector<128x3072xbf16>, vector<3072x768xbf16>, vector<128x768xf32> -> vector<128x768xf32>
    %get3A_90 = arith.constant 0 : index
    %get3A_91 = arith.constant 0 : index
    %get3A_92 = vector.load %arg11[%get3A_90, %get3A_91] : memref<1x768xf32, #tpu.memory_space<vmem>>, vector<1x768xf32>
    %add3A_93 = vector.broadcast %get3A_92 : vector<1x768xf32> to vector<128x768xf32>
    %add3A_94 = arith.addf %dot_general3A_89, %add3A_93 : vector<128x768xf32>
    %swap3A_95 = arith.constant 0 : index
    %swap3A_96 = arith.constant 0 : index
    %swap3A_97 = vector.load %arg13[%swap3A_95, %swap3A_96] : memref<128x768xf32, #tpu.memory_space<vmem>>, vector<128x768xf32>
    tpu.vector_store %arg13[%swap3A_95, %swap3A_96], %add3A_94 {strides = array<i32>} : memref<128x768xf32, #tpu.memory_space<vmem>>, vector<128x768xf32>,
    return
  }
  func.func @transform_0(%arg0: i32) -> (i32, i32) {
    %c0_i32 = arith.constant 0 : i32
    %c0_i32_0 = arith.constant 0 : i32
    return %arg0, %c0_i32 : i32, i32
  }
  func.func @transform_1(%arg0: i32) -> (i32, i32, i32) {
    %c0_i32 = arith.constant 0 : i32
    %c0_i32_0 = arith.constant 0 : i32
    %c0_i32_1 = arith.constant 0 : i32
    return %arg0, %c0_i32, %c0_i32_0 : i32, i32, i32
  }
  func.func @transform_2(%arg0: i32) -> (i32, i32, i32) {
    %c0_i32 = arith.constant 0 : i32
    %c0_i32_0 = arith.constant 0 : i32
    %c0_i32_1 = arith.constant 0 : i32
    return %arg0, %c0_i32, %c0_i32_0 : i32, i32, i32
  }
  func.func @transform_3(%arg0: i32) -> (i32, i32, i32) {
    %c0_i32 = arith.constant 0 : i32
    %c0_i32_0 = arith.constant 0 : i32
    %c0_i32_1 = arith.constant 0 : i32
    return %arg0, %c0_i32, %c0_i32_0 : i32, i32, i32
  }
  func.func @transform_4(%arg0: i32) -> (i32, i32, i32) {
    %c0_i32 = arith.constant 0 : i32
    %c0_i32_0 = arith.constant 0 : i32
    %c0_i32_1 = arith.constant 0 : i32
    return %arg0, %c0_i32, %c0_i32_0 : i32, i32, i32
  }
  func.func @transform_5(%arg0: i32) -> (i32, i32) {
    %c0_i32 = arith.constant 0 : i32
    %c0_i32_0 = arith.constant 0 : i32
    return %arg0, %c0_i32 : i32, i32
  }
  func.func @transform_6(%arg0: i32) -> (i32, i32) {
    %c0_i32 = arith.constant 0 : i32
    %c0_i32_0 = arith.constant 0 : i32
    return %arg0, %c0_i32 : i32, i32
  }
  func.func @transform_7(%arg0: i32) -> (i32, i32) {
    %c0_i32 = arith.constant 0 : i32
    %c0_i32_0 = arith.constant 0 : i32
    %c0_i32_1 = arith.constant 0 : i32
    return %c0_i32, %c0_i32_0 : i32, i32
  }
  func.func @transform_8(%arg0: i32) -> (i32, i32) {
    %c0_i32 = arith.constant 0 : i32
    %c0_i32_0 = arith.constant 0 : i32
    %c0_i32_1 = arith.constant 0 : i32
    return %c0_i32, %c0_i32_0 : i32, i32
  }
  func.func @transform_9(%arg0: i32) -> (i32, i32) {
    %c0_i32 = arith.constant 0 : i32
    %c0_i32_0 = arith.constant 0 : i32
    %c0_i32_1 = arith.constant 0 : i32
    return %c0_i32, %c0_i32_0 : i32, i32
  }
  func.func @transform_10(%arg0: i32) -> (i32, i32) {
    %c0_i32 = arith.constant 0 : i32
    %c0_i32_0 = arith.constant 0 : i32
    %c0_i32_1 = arith.constant 0 : i32
    return %c0_i32, %c0_i32_0 : i32, i32
  }
  func.func @transform_11(%arg0: i32) -> (i32, i32) {
    %c0_i32 = arith.constant 0 : i32
    %c0_i32_0 = arith.constant 0 : i32
    return %arg0, %c0_i32 : i32, i32
  }
  func.func @transform_12(%arg0: i32) -> (i32, i32) {
    %c0_i32 = arith.constant 0 : i32
    %c0_i32_0 = arith.constant 0 : i32
    return %arg0, %c0_i32 : i32, i32
  }
}

module attributes {stable_mosaic.version = 14 : i64} {
  func.func @_combine_body(%arg0: i32, %arg1: memref<8192x1xi32, #tpu.memory_space<vmem>>, %arg2: memref<8192x768xbf16, #tpu.memory_space<vmem>>, %arg3: memref<1024x768xf32, #tpu.memory_space<vmem>>, %arg4: memref<1024x768xf32, #tpu.memory_space<vmem>>) attributes {dimension_semantics = [#tpu.dimension_semantics<arbitrary>], iteration_bounds = array<i64: 8>, scalar_prefetch = 0 : i64, scratch_operands = 0 : i64, tpu.core_type = #tpu.core_type<tc>, window_params = [{pipeline_mode = #tpu.pipeline_mode<synchronous>, transform_indices = @transform_0, window_bounds = array<i64: 8192, 1>}, {pipeline_mode = #tpu.pipeline_mode<synchronous>, transform_indices = @transform_1, window_bounds = array<i64: 8192, 768>}, {transform_indices = @transform_2, window_bounds = array<i64: 1024, 768>}, {transform_indices = @transform_3, window_bounds = array<i64: 1024, 768>}]} {
    %get3A = arith.constant 0 : index
    %get3A_0 = arith.constant 0 : index
    %get3A_1 = vector.load %arg1[%get3A, %get3A_0] : memref<8192x1xi32, #tpu.memory_space<vmem>>, vector<8192x1xi32>
    %mul3A = arith.constant 1024 : i32
    %mul3A_2 = arith.muli %arg0, %mul3A : i32
    %iota3A = tpu.iota {dimensions = array<i32: 1>} : vector<1x1024xi32>
    %add3A = vector.broadcast %mul3A_2 : i32 to vector<1x1024xi32>
    %add3A_3 = arith.addi %iota3A, %add3A : vector<1x1024xi32>
    %eq3A = vector.broadcast %get3A_1 : vector<8192x1xi32> to vector<8192x1024xi32>
    %eq3A_4 = vector.broadcast %add3A_3 : vector<1x1024xi32> to vector<8192x1024xi32>
    %eq3A_5 = arith.cmpi eq, %eq3A, %eq3A_4 : vector<8192x1024xi32>
    %convert_element_type3A = arith.extui %eq3A_5 : vector<8192x1024xi1> to vector<8192x1024xi32>
    %convert_element_type3A_6 = arith.sitofp %convert_element_type3A : vector<8192x1024xi32> to vector<8192x1024xf32>
    %convert_element_type3A_7 = arith.truncf %convert_element_type3A_6 : vector<8192x1024xf32> to vector<8192x1024xbf16>
    %get3A_8 = arith.constant 0 : index
    %get3A_9 = arith.constant 0 : index
    %get3A_10 = vector.load %arg2[%get3A_8, %get3A_9] : memref<8192x768xbf16, #tpu.memory_space<vmem>>, vector<8192x768xbf16>
    %dot_general3A = arith.constant dense<0.000000e+00> : vector<1024x768xf32>
    %dot_general3A_11 = tpu.matmul %convert_element_type3A_7, %get3A_10, %dot_general3A {dimension_numbers = #tpu.dot_dimension_numbers<[0], [0], [1], [1], [0, 1, 1, 1], [], []>, transpose_lhs_hint = false} : vector<8192x1024xbf16>, vector<8192x768xbf16>, vector<1024x768xf32> -> vector<1024x768xf32>
    %get3A_12 = arith.constant 0 : index
    %get3A_13 = arith.constant 0 : index
    %get3A_14 = vector.load %arg3[%get3A_12, %get3A_13] : memref<1024x768xf32, #tpu.memory_space<vmem>>, vector<1024x768xf32>
    %add3A_15 = arith.addf %dot_general3A_11, %get3A_14 : vector<1024x768xf32>
    %swap3A = arith.constant 0 : index
    %swap3A_16 = arith.constant 0 : index
    %swap3A_17 = vector.load %arg4[%swap3A, %swap3A_16] : memref<1024x768xf32, #tpu.memory_space<vmem>>, vector<1024x768xf32>
    tpu.vector_store %arg4[%swap3A, %swap3A_16], %add3A_15 {strides = array<i32>} : memref<1024x768xf32, #tpu.memory_space<vmem>>, vector<1024x768xf32>,
    return
  }
  func.func @transform_0(%arg0: i32) -> (i32, i32) {
    %c0_i32 = arith.constant 0 : i32
    %c0_i32_0 = arith.constant 0 : i32
    %c0_i32_1 = arith.constant 0 : i32
    return %c0_i32, %c0_i32_0 : i32, i32
  }
  func.func @transform_1(%arg0: i32) -> (i32, i32) {
    %c0_i32 = arith.constant 0 : i32
    %c0_i32_0 = arith.constant 0 : i32
    %c0_i32_1 = arith.constant 0 : i32
    return %c0_i32, %c0_i32_0 : i32, i32
  }
  func.func @transform_2(%arg0: i32) -> (i32, i32) {
    %c0_i32 = arith.constant 0 : i32
    %c0_i32_0 = arith.constant 0 : i32
    return %arg0, %c0_i32 : i32, i32
  }
  func.func @transform_3(%arg0: i32) -> (i32, i32) {
    %c0_i32 = arith.constant 0 : i32
    %c0_i32_0 = arith.constant 0 : i32
    return %arg0, %c0_i32 : i32, i32
  }
}

</mosaic_0001>

<sc_bundles>
// kernel: kernel.6.cloned.1.call-start
scs
__scs_entry_jumppad:
0x0: {  	(pc) =	sbr.rel $0x88, $3  }
0x1: {  	(tag) =	ssettag $0x0;
	lr =	simm.s32 $0x1  }
0x2: {  	[smem:$0x3F97] =	sst lr;
	_ =	strace $0xD0000000  }
0x3: {  	_ = 	snop  }
0x4: {  	_ = 	snop  }
0x5: {  	_ = 	snop  }
0x6: {  	_ = 	snop  }
0x7: {  	_ = 	snop  }
__scs_overlays_trampoline_lowered:
0x8: {  	[smem:$0x3FA6] =	sst s0  }
0x9: {  	[smem:$0x3FA7] =	sst s1  }
0xa: {  	[smem:$0x3FA8] =	sst s2  }
0xb: {  	[smem:$0x3FA9] =	sst s3  }
0xc: {  	[smem:$0x3FAA] =	sst s4  }
0xd: {  	[smem:$0x3FAB] =	sst s5  }
0xe: {  	[smem:$0x3FAC] =	sst s6  }
0xf: {  	[smem:$0x3FAD] =	sst s7  }
0x10: {  	[smem:$0x3FAE] =	sst s8  }
0x11: {  	[smem:$0x3FAF] =	sst s9;
	s0 =	simm.s32 @!p0 $0x0  }
0x12: {  	s1 =	sld [smem:$0x3F95];
	s0 =	simm.s32 @p0 $0x1  }
0x13: {  	[smem:$0x3FB0] =	sst s0;
	s0 =	simm.s32 @!p1 $0x0  }
0x14: {  	s2 =	sld [smem:$0x3F94];
	s0 =	simm.s32 @p1 $0x1  }
0x15: {  	[smem:$0x3FB1] =	sst s0;
	s0 =	simm.s32 @!p2 $0x0  }
0x16: {  	s3 =	sld [smem:$0x3FDB];
	s0 =	simm.s32 @p2 $0x1  }
0x17: {  	s4 =	simm.s32 $0x1BF5;
	[smem:$0x3FB3] =	sst s0  }
0x18: {  	s0 =	sld [smem:$0x3F96];
	_ =	swait.ge [sflag:s4], $0x0  }
0x19: {  	s7 =	sld [smem:$0x3F97]  }
0x1a: {  	s8 =	sadd.s32 $0xFFFFE003, lr  }
0x1b: {  	s9 =	sadd.s32 $0xFFFFFEF7, lr;
	s5 =	simm.s32 $0xFFFFFFFF;
	p2 =	slt.u32 s8, $0xFFFFF086  }
0x1c: {  	p1 =	slt.u32 s9, $0xF7A;
	s5 =	simm.s32 @!p2 $0x0  }
0x1d: {  	s5 =	simm.s32 @p1 $0x1;
	p0 =	seq.s32 s7, s2  }
0x1e: {  	s7 =	smul.u32 @!p0 $0xF7A, s2;
	p2 =	seq.s32 @!p0 s5, $0x0  }
0x1f: {  	s9 =	smul.u32 $0xF7A, s1;
	s8 =	simm.s32 @!p0 $0x1BF5;
	p2 =	por !p2, p0  }
0x20: {  	[sflag:s8] =	ssyncset.s32 @!p0 $0xFFFFF086;
	s6 =	sadd.s32 @!p0 s3, s7;
	s7 =	simm.s32 @!p0 $0x108  }
0x21: {  	s3 =	sadd.s32 s3, s9;
	s6 =	sadd.s32 @!p0 $0x88, s6;
	s7 =	simm.s32 @p2 $0x1082  }
0x22: {  	[simem:s7], [sflag:s8] =	dma.local @!p0 [hbm:s6], $0xF7A  }
0x23: {  	s9 =	sor.u32 $0xD0000000, s2;
	s6 =	simm.s32 $0x108;
	_ =	swait.ge @!p0 [sflag:s8], $0x0  }
0x24: {  	s3 =	sadd.s32 $0x88, s3;
	s6 =	simm.s32 @!p1 $0x1082;
	[sflag:s4] =	ssyncset.s32 $0xFFFFF086  }
0x25: {  	[simem:s6], [sflag:s4] =	dma.local [hbm:s3], $0xF7A  }
0x26: {  	[smem:$0x3F97] =	sst s1;
	(tag) =	ssettag s2;
	_ =	strace s9  }
0x27: {  	s1 =	sld [smem:$0x3FA7]  }
0x28: {  	s2 =	sld [smem:$0x3FA8]  }
0x29: {  	s4 =	sld [smem:$0x3FAA]  }
0x2a: {  	p0 =	seq.s32 s5, $0x0;
	s5 =	sld [smem:$0x3FAB]  }
0x2b: {  	s6 =	sld [smem:$0x3FAC]  }
0x2c: {  	s7 =	sld [smem:$0x3FAD]  }
0x2d: {  	s3 =	simm.s32 $0x108;
	s8 =	sld [smem:$0x3FAE]  }
0x2e: {  	s3 =	simm.s32 @!p0 $0x1082;
	s9 =	sld [smem:$0x3FAF]  }
0x2f: {  	lr =	sadd.s32 s0, s3;
	s0 =	sld [smem:$0x3FA6]  }
0x30: {  	s3 =	sld [smem:$0x3FA9]  }
0x31: {  	[smem:$0x3FB2] =	sst s10  }
0x32: {  	s10 =	sld [smem:$0x3FB0];
	_ =	sdelay $0x3  }
0x33: {  	p0 =	seq.s32 s10, $0x1;
	s10 =	sld [smem:$0x3FB2];
	_ =	sdelay $0x3  }
0x34: {  	[smem:$0x3FB2] =	sst s10  }
0x35: {  	s10 =	sld [smem:$0x3FB1];
	_ =	sdelay $0x3  }
0x36: {  	p1 =	seq.s32 s10, $0x1;
	s10 =	sld [smem:$0x3FB2];
	_ =	sdelay $0x3  }
0x37: {  	[smem:$0x3FB2] =	sst s10  }
0x38: {  	s10 =	sld [smem:$0x3FB3]  }
0x39: {  	_ = 	snop;
	(pc) =	sbr.ind lr, $3  }
0x3a: {  	_ = 	snop  }
0x3b: {  	_ = 	snop  }
0x3c: {  	p2 =	seq.s32 s10, $0x1;
	s10 =	sld [smem:$0x3FB2]  }
0x3d: {  	_ =	shalt  }
0x3e: {  	_ =	shalt  }
0x3f: {  	_ =	shalt  }
0x40: {  	_ =	shalt  }
0x41: {  	_ =	shalt  }
0x42: {  	_ =	shalt  }
0x43: {  	_ =	shalt  }
0x44: {  	_ =	shalt  }
0x45: {  	_ =	shalt  }
0x46: {  	_ =	shalt  }
0x47: {  	_ =	shalt  }
0x48: {  	_ =	shalt  }
0x49: {  	_ =	shalt  }
0x4a: {  	_ =	shalt  }
0x4b: {  	_ =	shalt  }
0x4c: {  	_ =	shalt  }
0x4d: {  	_ =	shalt  }
0x4e: {  	_ =	shalt  }
0x4f: {  	_ =	shalt  }
0x50: {  	_ =	shalt  }
0x51: {  	_ =	shalt  }
0x52: {  	_ =	shalt  }
0x53: {  	_ =	shalt  }
0x54: {  	_ =	shalt  }
0x55: {  	_ =	shalt  }
0x56: {  	_ =	shalt  }
0x57: {  	_ =	shalt  }
0x58: {  	_ =	shalt  }
0x59: {  	_ =	shalt  }
0x5a: {  	_ =	shalt  }
0x5b: {  	_ =	shalt  }
0x5c: {  	_ =	shalt  }
0x5d: {  	_ =	shalt  }
0x5e: {  	_ =	shalt  }
0x5f: {  	_ =	shalt  }
0x60: {  	_ =	shalt  }
0x61: {  	_ =	shalt  }
0x62: {  	_ =	shalt  }
0x63: {  	_ =	shalt  }
0x64: {  	_ =	shalt  }
0x65: {  	_ =	shalt  }
0x66: {  	_ =	shalt  }
0x67: {  	_ =	shalt  }
0x68: {  	_ =	shalt  }
0x69: {  	_ =	shalt  }
0x6a: {  	_ =	shalt  }
0x6b: {  	_ =	shalt  }
0x6c: {  	_ =	shalt  }
0x6d: {  	_ =	shalt  }
0x6e: {  	_ =	shalt  }
0x6f: {  	_ =	shalt  }
0x70: {  	_ =	shalt  }
0x71: {  	_ =	shalt  }
0x72: {  	_ =	shalt  }
0x73: {  	_ =	shalt  }
0x74: {  	_ =	shalt  }
0x75: {  	_ =	shalt  }
0x76: {  	_ =	shalt  }
0x77: {  	_ =	shalt  }
0x78: {  	_ =	shalt  }
0x79: {  	_ =	shalt  }
0x7a: {  	_ =	shalt  }
0x7b: {  	_ =	shalt  }
0x7c: {  	_ =	shalt  }
0x7d: {  	_ =	shalt  }
0x7e: {  	_ =	shalt  }
0x7f: {  	_ =	shalt  }
0x80: {  	_ =	shalt  }
0x81: {  	_ =	shalt  }
0x82: {  	_ =	shalt  }
0x83: {  	_ =	shalt  }
0x84: {  	_ =	shalt  }
0x85: {  	_ =	shalt  }
0x86: {  	_ =	shalt  }
0x87: {  	_ =	shalt  }
.Lfunc_end0:
.L_simem_size_0:
called_computation_lowered:
.L_overlay_start_0:
0x88: {  	s2 =	sld [smem:$0x3FD9]  }
0x89: {  	s3 =	sld [smem:$0x3FFE];
	_ =	sdelay $0x1  }
0x8a: {  	s1 =	srdreg.scid  }
0x8b: {  	s0 =	sand.u32 $0x1, s1  }
0x8c: {  	s17 =	sshll.u32 s0, $0xA;
	s2 =	sadd.s32 s3, s2  }
0x8d: {  	s2 =	sadd.s32 s2, s17  }
0x8e: {  	[smem:$0x3FBE] =	sst s2  }
0x8f: {  	_ = 	snop  }
0x90: {  	s2 =	sld [smem:$0x3FC9]  }
0x91: {  	s18 =	sld [smem:$0x3FD0];
	(tm) =	ssettm $0x1  }
0x92: {  	s4 =	sld [smem:$0x3FFB];
	_ =	sdelay $0x3  }
0x93: {  	_ =	strace s4  }
0x94: {  	s4 =	sld [smem:$0x3FFC];
	_ =	sdelay $0x3  }
0x95: {  	_ =	strace s4  }
0x96: {  	s4 =	sld [smem:$0x3FFD];
	_ =	sdelay $0x3  }
0x97: {  	_ =	strace s4  }
0x98: {  	_ =	strace $0x8FFFFFFF  }
0x99: {  	s19 =	sld [smem:$0x3FDB];
	_ =	sdelay $0x1  }
0x9a: {  	s5 =	simm.s32 $_scs_section_size  }
0x9b: {  	s6 =	simm.s32 $_size__tile_overlayer_lowered;
	s7 =	simm.s32 $_tile_overlayer_lowered  }
0x9c: {  	s22 =	simm.s32 $0x1BFF;
	s21 =	sshll.u32 s7, $0x1;
	s4 =	sadd.s32 s5, s19  }
0x9d: {  	s8 =	simm.s32 $0x0;
	s20 =	sshll.u32 s6, $0x1;
	s6 =	sadd.s32 s21, s4  }
0x9e: {  	[timem:s8], [sflag:s22] =	dma.local [hbm:s6], s20  }
0x9f: {  	_ =	swait.ge [sflag:s22], s20  }
0xa0: {  	s5 =	ssub.s32 $0x0, s20;
	[sflag:s22] =	ssyncset.done $0x0  }
0xa1: {  	[sflag:s22] =	ssyncadd.s32 s5;
	_ =	sdelay $0x1  }
0xa2: {  	s23 =	simm.s32 $0x1B8B  }
0xa3: {  	_ =	swait.ge [sflag:s23], $0x1  }
0xa4: {  	[sflag:s23] =	ssyncset.done $0x0  }
0xa5: {  	s25 =	simm.s32 $0x1B8E;
	s24 =	sld [smem:$0x3FFE];
	[sflag:s23] =	ssyncadd.s32 $0xFFFFFFFF  }
0xa6: {  	s26 =	simm.s32 $execute0_lowered;
	[smem:$0x3FD2] =	sst s25  }
0xa7: {  	s6 =	sshll.u32 s26, $0x1;
	_ =	strace $0x80000046;
	[dreg:$0x1] =	wrdreg $0xFFFFFFFF  }
0xa8: {  	s28 =	simm.s32 $_size_execute0_lowered;
	s4 =	sadd.s32 s4, s6;
	[dreg:$0x0] =	wrdreg $0x0  }
0xa9: {  	s6 =	sshll.u32 s28, $0x1;
	[dreg:$0x2] =	wrdreg s4  }
0xaa: {  	[dreg:$0x3] =	wrdreg s6  }
0xab: {  	[dreg:$0x4] =	wrdreg $0xC0  }
0xac: {  	_ =	task [dreg:s8], $0x5FFFF  }
0xad: {  	[dreg:$0x1] =	wrdreg $0xFFFFFFFF  }
0xae: {  	[dreg:$0x0] =	wrdreg $0x60  }
0xaf: {  	[dreg:$0x2] =	wrdreg s24  }
0xb0: {  	[dreg:$0x3] =	wrdreg s2  }
0xb1: {  	[dreg:$0x4] =	wrdreg s18  }
0xb2: {  	[dreg:$0x5] =	wrdreg $0x9  }
0xb3: {  	_ =	task.clear_ibuf [dreg:s8], $0x6FFFF;
	_ =	strace $0x90000046  }
0xb4: {  	s29 =	simm.s32 $0x9;
	_ =	strace $0x80000048  }
0xb5: {  	_ =	swait.ge [sflag:s29], $0x1  }
0xb6: {  	[sflag:s29] =	ssyncadd.s32 $0xFFFFFFFF  }
0xb7: {  	_ =	strace $0x90000048  }
0xb8: {  	_ =	sfence  }
0xb9: {  	s30 =	sld [smem:$0x0];
	_ =	sdelay $0x2  }
0xba: {  	s31 =	sshll.u32 s1, $0xD;
	s1 =	sshrl.u32 s1, $0x2  }
0xbb: {  	s3 =	sand.u32 $0x4000, s31;
	s1 =	sadd.s32 s1, s30  }
0xbc: {  	s0 =	sor.u32 s3, s0;
	s1 =	sshll.u32 s1, $0x11  }
0xbd: {  	s0 =	sor.u32 s1, s0  }
0xbe: {  	s0 =	sadd.s32 $0x8F2B, s0  }
0xbf: {  	[sflag:s0] =	ssyncadd.remote.s32 $0x1  }
0xc0: {  	_ =	sfence.sel $0xFFFF  }
0xc1: {  	[dreg:$0x0] =	wrdreg $0xFFFFFFFF;
	(pc) =	sbr.abs _section_cstart, $3  }
0xc2: {  	[dreg:$0x1] =	wrdreg $0xFFFFFFFF  }
0xc3: {  	_ =	task.clear_ibuf [dreg:s8], $0x2FFFF;
	_ =	strace $0x9FFFFFFF  }
0xc4: {  	(tm) =	ssettm $0x7FFFFFFF  }
0xc5: {  	_ =	shalt  }
tec
execute0_lowered:
.L_overlay_start_1:
0x0: {  	(tag) =	ssettag $0x1  }
0x1: {  	s0 =	rddreg [dreg:$0x0]  }
0x2: {  	s1 =	rddreg [dreg:$0x1]  }
0x3: {  	s2 =	rddreg [dreg:$0x2];
	s3 =	simm.s32 $0x0  }
0x4: {  	s4 =	srdreg.scid;
	s6 =	stileid.u32;
	s28 =	simm.s32 $0x17980  }
0x5: {  	s16 =	simm.s32 $0x18180;
	s29 =	simm.s32 $0x18980;
	s30 =	simm.s32 $0x19180  }
0x6: {  	s31 =	simm.s32 $0x19980;
	[smem:$0x7FF] =	sst s3;
	s4 =	sand.u32 $0x1, s4  }
0x7: {  	s5 =	sshll.u32 s6, $0x1;
	s8 =	sadd.s32 $0x3200, s0;
	s9 =	sadd.s32 $0x13200, s0  }
0x8: {  	s10 =	sadd.s32 $0x13A00, s0;
	s6 =	sshrl.u32 s6, $0x1;
	s0 =	sadd.s32 $0x13600, s0  }
0x9: {  	_ =	strace $0x80000047;
	s5 =	sor.u32 s4, s5;
	s11 =	sshll.u32 s6, $0x10  }
0xa: {  	s4 =	ssub.s32 $0x2, s4;
	s13 =	sshll.u32 s6, $0xA;
	s6 =	sadd.s32 $0x100, s1  }
0xb: {  	s7 =	sshll.u32 s5, $0x8;
	s17 =	sshrl.u32 s4, $0x1;
	s14 =	smul.u32 $0x6000, s5  }
0xc: {  	s5 =	sshllo.u32 s5, $0x1;
	s7 =	sand.u32 $0x300, s7;
	s4 =	ssub.s32 s4, s17  }
0xd: {  	s15 =	sshll.u32 s5, $0x7;
	s5 =	smul.u32 $0x3000, s5;
	s12 =	sor.u32 s11, s7  }
0xe: {  	s7 =	sor.u32 s13, s7;
	s14 =	sadd.s32 s2, s14;
	s22 =	sand.u32 $0x380, s15  }
0xf: {  	s26 =	smax.u32 s4, $0x1;
	s15 =	simm.s32 $0x17180;
	s12 =	sshrl.u32 s12, $0x3  }
0x10: {  	s19 =	sshrl.u32 s7, $0x3;
	s7 =	sadd.s32 $0x200, s1;
	[dreg:$0x6] =	wrdreg s14  }
0x11: {  	s11 =	sor.u32 s11, s22;
	s13 =	sor.u32 s13, s22;
	s2 =	sadd.s32 s2, s5  }
0x12: {  	[dreg:$0xe] =	wrdreg s26;
	s22 =	simm.s32 $0x1A380;
	s14 =	simm.s32 $0x16180  }
0x13: {  	s26 =	simm.s32 $0x16980;
	s18 =	sadd.s32 s8, s12;
	[dreg:$0xb] =	wrdreg s2  }
0x14: {  	s20 =	sadd.s32 s9, s19;
	s21 =	sadd.s32 s10, s19;
	[dreg:$0x4] =	wrdreg s18  }
0x15: {  	s12 =	sadd.s32 s0, s19;
	s11 =	sshrl.u32 s11, $0x3;
	[dreg:$0x5] =	wrdreg s20  }
0x16: {  	s23 =	sshrl.u32 s13, $0x3;
	s19 =	simm.s32 $0x1;
	[dreg:$0x7] =	wrdreg s21  }
0x17: {  	s13 =	simm.s32 $0x15980;
	[dreg:$0x8] =	wrdreg s12;
	s8 =	sadd.s32 s8, s11  }
.Ltmp0:
0x18: {  	s24 =	sadd.s32 s9, s23;
	[dreg:$0x9] =	wrdreg s8;
	(pc) =	sbr.rel .LBB2_1-.Ltmp0, $4  }
0x19: {  	s25 =	sadd.s32 s10, s23;
	s0 =	sadd.s32 s0, s23;
	[dreg:$0xa] =	wrdreg s24  }
0x1a: {  	v0 =	vlaneseq.u32;
	s21 =	simm.s32 $0x1A580;
	s23 =	simm.s32 $0x2080;
	[dreg:$0xc] =	wrdreg s25  }
0x1b: {  	v1 =	vimm.s32 $0x0;
	vm0 =	vmmov $0xffff;
	v3 =	vshrl.u32 v0, $0x3;
	s11 =	simm.s32 $0x14980;
	s12 =	simm.s32 $0x15180;
	[dreg:$0xd] =	wrdreg s0  }
0x1c: {  	v2 =	vand.u32 $0x7, v0;
	v4 =	vor.u32 $0x8, v0;
	v3 =	vmul.u32 $0x8, v3;
	s24 =	simm.s32 $0x2100;
	s25 =	simm.s32 $0x2180;
	s0 =	simm.s32 $0x0  }
.LBB2_15:
0x1d: {  	v5 =	vld [tilespmem:$0x2080];
	_ =	sdelay $0x4  }
0x1e: {  	v6 =	vshrl.u32 v5, $0x3  }
0x1f: {  	v6 =	vmul.u32 $0x30, v6  }
0x20: {  	v5 =	vand.u32 $0x7, v5  }
0x21: {  	v5 =	vor.u32 v5, v6  }
0x22: {  	v6 =	vperm.xlane v5, v2;
	_ =	sdelay $0x1  }
0x23: {  	v6 =	vadd.s32 v3, v6;
	_ =	sdelay $0x3  }
0x24: {  	v5 =	vperm.xlane v5, v4  }
0x25: {  	[tilespmem:s25], [sflag:$0x1] =	stream.indirect_vreg.gather [hbm4b:s1+s3], $0x80, v6, vm0, $0xb8;
	[tilespmem:$0x1A780] =	vst v63  }
0x26: {  	s2 =	simm.s32 $0x2980;
	v5 =	vadd.s32 v3, v5  }
0x27: {  	[tilespmem:s2], [sflag:$0x1] =	stream.indirect_vreg.gather [hbm4b:s6+s3], $0x80, v6, vm0, $0xb8;
	[tilespmem:$0x1A780] =	vst v63  }
0x28: {  	s5 =	simm.s32 $0x3180  }
0x29: {  	[tilespmem:s5], [sflag:$0x1] =	stream.indirect_vreg.gather [hbm4b:s7+s3], $0x80, v6, vm0, $0xb8;
	[tilespmem:$0x1A780] =	vst v63  }
0x2a: {  	s8 =	simm.s32 $0x3980  }
0x2b: {  	[tilespmem:s8], [sflag:$0x1] =	stream.indirect_vreg.gather [hbm4b:s1+s3], $0x80, v5, vm0, $0xb8;
	[tilespmem:$0x1A780] =	vst v63  }
0x2c: {  	s9 =	simm.s32 $0x4180  }
0x2d: {  	[tilespmem:s9], [sflag:$0x1] =	stream.indirect_vreg.gather [hbm4b:s6+s3], $0x80, v5, vm0, $0xb8;
	[tilespmem:$0x1A780] =	vst v63  }
0x2e: {  	s10 =	simm.s32 $0x4980  }
0x2f: {  	[tilespmem:s10], [sflag:$0x1] =	stream.indirect_vreg.gather [hbm4b:s7+s3], $0x80, v5, vm0, $0xb8;
	[tilespmem:$0x1A780] =	vst v63  }
0x30: {  	v5 =	vld [tilespmem:$0x2090];
	_ =	sdelay $0x4  }
0x31: {  	v6 =	vshrl.u32 v5, $0x3  }
0x32: {  	v6 =	vmul.u32 $0x30, v6  }
0x33: {  	v5 =	vand.u32 $0x7, v5  }
0x34: {  	v5 =	vor.u32 v5, v6  }
0x35: {  	v6 =	vperm.xlane v5, v2;
	_ =	sdelay $0x1  }
0x36: {  	v6 =	vadd.s32 v3, v6;
	_ =	sdelay $0x3  }
0x37: {  	s17 =	simm.s32 $0x5180;
	v5 =	vperm.xlane v5, v4  }
0x38: {  	[tilespmem:s17], [sflag:$0x1] =	stream.indirect_vreg.gather [hbm4b:s1+s3], $0x80, v6, vm0, $0xb8;
	[tilespmem:$0x1A780] =	vst v63  }
0x39: {  	s18 =	simm.s32 $0x5980;
	v5 =	vadd.s32 v3, v5  }
0x3a: {  	[tilespmem:s18], [sflag:$0x1] =	stream.indirect_vreg.gather [hbm4b:s6+s3], $0x80, v6, vm0, $0xb8;
	[tilespmem:$0x1A780] =	vst v63  }
0x3b: {  	s20 =	simm.s32 $0x6180  }
0x3c: {  	[tilespmem:s20], [sflag:$0x1] =	stream.indirect_vreg.gather [hbm4b:s7+s3], $0x80, v6, vm0, $0xb8;
	[tilespmem:$0x1A780] =	vst v63  }
0x3d: {  	s4 =	simm.s32 $0x6980  }
0x3e: {  	[tilespmem:s4], [sflag:$0x1] =	stream.indirect_vreg.gather [hbm4b:s1+s3], $0x80, v5, vm0, $0xb8;
	[tilespmem:$0x1A780] =	vst v63  }
0x3f: {  	s5 =	simm.s32 $0x7180  }
0x40: {  	[tilespmem:s5], [sflag:$0x1] =	stream.indirect_vreg.gather [hbm4b:s6+s3], $0x80, v5, vm0, $0xb8;
	[tilespmem:$0x1A780] =	vst v63  }
0x41: {  	s8 =	simm.s32 $0x7980  }
0x42: {  	[tilespmem:s8], [sflag:$0x1] =	stream.indirect_vreg.gather [hbm4b:s7+s3], $0x80, v5, vm0, $0xb8;
	[tilespmem:$0x1A780] =	vst v63  }
0x43: {  	v5 =	vld [tilespmem:$0x20A0];
	_ =	sdelay $0x4  }
0x44: {  	v6 =	vshrl.u32 v5, $0x3  }
0x45: {  	v6 =	vmul.u32 $0x30, v6  }
0x46: {  	v5 =	vand.u32 $0x7, v5  }
0x47: {  	v5 =	vor.u32 v5, v6  }
0x48: {  	v6 =	vperm.xlane v5, v2;
	_ =	sdelay $0x1  }
0x49: {  	v6 =	vadd.s32 v3, v6;
	_ =	sdelay $0x3  }
0x4a: {  	s9 =	simm.s32 $0x8180;
	v5 =	vperm.xlane v5, v4  }
0x4b: {  	[tilespmem:s9], [sflag:$0x1] =	stream.indirect_vreg.gather [hbm4b:s1+s3], $0x80, v6, vm0, $0xb8;
	[tilespmem:$0x1A780] =	vst v63  }
0x4c: {  	s10 =	simm.s32 $0x8980;
	v5 =	vadd.s32 v3, v5  }
0x4d: {  	[tilespmem:s10], [sflag:$0x1] =	stream.indirect_vreg.gather [hbm4b:s6+s3], $0x80, v6, vm0, $0xb8;
	[tilespmem:$0x1A780] =	vst v63  }
0x4e: {  	s17 =	simm.s32 $0x9180  }
0x4f: {  	[tilespmem:s17], [sflag:$0x1] =	stream.indirect_vreg.gather [hbm4b:s7+s3], $0x80, v6, vm0, $0xb8;
	[tilespmem:$0x1A780] =	vst v63  }
0x50: {  	s18 =	simm.s32 $0x9980  }
0x51: {  	[tilespmem:s18], [sflag:$0x1] =	stream.indirect_vreg.gather [hbm4b:s1+s3], $0x80, v5, vm0, $0xb8;
	[tilespmem:$0x1A780] =	vst v63  }
0x52: {  	s20 =	simm.s32 $0xA180  }
0x53: {  	[tilespmem:s20], [sflag:$0x1] =	stream.indirect_vreg.gather [hbm4b:s6+s3], $0x80, v5, vm0, $0xb8;
	[tilespmem:$0x1A780] =	vst v63  }
0x54: {  	s4 =	simm.s32 $0xA980  }
0x55: {  	[tilespmem:s4], [sflag:$0x1] =	stream.indirect_vreg.gather [hbm4b:s7+s3], $0x80, v5, vm0, $0xb8;
	[tilespmem:$0x1A780] =	vst v63  }
0x56: {  	v5 =	vld [tilespmem:$0x20B0];
	_ =	sdelay $0x4  }
0x57: {  	v6 =	vshrl.u32 v5, $0x3  }
0x58: {  	v6 =	vmul.u32 $0x30, v6  }
0x59: {  	v5 =	vand.u32 $0x7, v5  }
0x5a: {  	v5 =	vor.u32 v5, v6  }
0x5b: {  	v6 =	vperm.xlane v5, v2;
	_ =	sdelay $0x1  }
0x5c: {  	v6 =	vadd.s32 v3, v6;
	_ =	sdelay $0x3  }
0x5d: {  	s5 =	simm.s32 $0xB180;
	v5 =	vperm.xlane v5, v4  }
0x5e: {  	[tilespmem:s5], [sflag:$0x1] =	stream.indirect_vreg.gather [hbm4b:s1+s3], $0x80, v6, vm0, $0xb8;
	[tilespmem:$0x1A780] =	vst v63  }
0x5f: {  	s8 =	simm.s32 $0xB980;
	v5 =	vadd.s32 v3, v5  }
0x60: {  	[tilespmem:s8], [sflag:$0x1] =	stream.indirect_vreg.gather [hbm4b:s6+s3], $0x80, v6, vm0, $0xb8;
	[tilespmem:$0x1A780] =	vst v63  }
0x61: {  	s9 =	simm.s32 $0xC180  }
0x62: {  	[tilespmem:s9], [sflag:$0x1] =	stream.indirect_vreg.gather [hbm4b:s7+s3], $0x80, v6, vm0, $0xb8;
	[tilespmem:$0x1A780] =	vst v63  }
0x63: {  	s10 =	simm.s32 $0xC980  }
0x64: {  	[tilespmem:s10], [sflag:$0x1] =	stream.indirect_vreg.gather [hbm4b:s1+s3], $0x80, v5, vm0, $0xb8;
	[tilespmem:$0x1A780] =	vst v63  }
0x65: {  	s17 =	simm.s32 $0xD180  }
0x66: {  	[tilespmem:s17], [sflag:$0x1] =	stream.indirect_vreg.gather [hbm4b:s6+s3], $0x80, v5, vm0, $0xb8;
	[tilespmem:$0x1A780] =	vst v63  }
0x67: {  	s18 =	simm.s32 $0xD980  }
0x68: {  	[tilespmem:s18], [sflag:$0x1] =	stream.indirect_vreg.gather [hbm4b:s7+s3], $0x80, v5, vm0, $0xb8;
	[tilespmem:$0x1A780] =	vst v63  }
0x69: {  	v5 =	vld [tilespmem:$0x20C0];
	_ =	sdelay $0x4  }
0x6a: {  	v6 =	vshrl.u32 v5, $0x3  }
0x6b: {  	v6 =	vmul.u32 $0x30, v6  }
0x6c: {  	v5 =	vand.u32 $0x7, v5  }
0x6d: {  	v5 =	vor.u32 v5, v6  }
0x6e: {  	v6 =	vperm.xlane v5, v2;
	_ =	sdelay $0x1  }
0x6f: {  	v6 =	vadd.s32 v3, v6;
	_ =	sdelay $0x3  }
0x70: {  	s20 =	simm.s32 $0xE180;
	v5 =	vperm.xlane v5, v4  }
0x71: {  	[tilespmem:s20], [sflag:$0x1] =	stream.indirect_vreg.gather [hbm4b:s1+s3], $0x80, v6, vm0, $0xb8;
	[tilespmem:$0x1A780] =	vst v63  }
0x72: {  	s4 =	simm.s32 $0xE980;
	v5 =	vadd.s32 v3, v5  }
0x73: {  	[tilespmem:s4], [sflag:$0x1] =	stream.indirect_vreg.gather [hbm4b:s6+s3], $0x80, v6, vm0, $0xb8;
	[tilespmem:$0x1A780] =	vst v63  }
0x74: {  	s5 =	simm.s32 $0xF180  }
0x75: {  	[tilespmem:s5], [sflag:$0x1] =	stream.indirect_vreg.gather [hbm4b:s7+s3], $0x80, v6, vm0, $0xb8;
	[tilespmem:$0x1A780] =	vst v63  }
0x76: {  	s8 =	simm.s32 $0xF980  }
0x77: {  	[tilespmem:s8], [sflag:$0x1] =	stream.indirect_vreg.gather [hbm4b:s1+s3], $0x80, v5, vm0, $0xb8;
	[tilespmem:$0x1A780] =	vst v63  }
0x78: {  	s9 =	simm.s32 $0x10180  }
0x79: {  	[tilespmem:s9], [sflag:$0x1] =	stream.indirect_vreg.gather [hbm4b:s6+s3], $0x80, v5, vm0, $0xb8;
	[tilespmem:$0x1A780] =	vst v63  }
0x7a: {  	s10 =	simm.s32 $0x10980  }
0x7b: {  	[tilespmem:s10], [sflag:$0x1] =	stream.indirect_vreg.gather [hbm4b:s7+s3], $0x80, v5, vm0, $0xb8;
	[tilespmem:$0x1A780] =	vst v63  }
0x7c: {  	v5 =	vld [tilespmem:$0x20D0];
	_ =	sdelay $0x4  }
0x7d: {  	v6 =	vshrl.u32 v5, $0x3  }
0x7e: {  	v6 =	vmul.u32 $0x30, v6  }
0x7f: {  	v5 =	vand.u32 $0x7, v5  }
0x80: {  	v5 =	vor.u32 v5, v6  }
0x81: {  	v6 =	vperm.xlane v5, v2;
	_ =	sdelay $0x1  }
0x82: {  	v6 =	vadd.s32 v3, v6;
	_ =	sdelay $0x3  }
0x83: {  	s17 =	simm.s32 $0x11180;
	v5 =	vperm.xlane v5, v4  }
0x84: {  	[tilespmem:s17], [sflag:$0x1] =	stream.indirect_vreg.gather [hbm4b:s1+s3], $0x80, v6, vm0, $0xb8;
	[tilespmem:$0x1A780] =	vst v63  }
0x85: {  	s18 =	simm.s32 $0x11980;
	v5 =	vadd.s32 v3, v5  }
0x86: {  	[tilespmem:s18], [sflag:$0x1] =	stream.indirect_vreg.gather [hbm4b:s6+s3], $0x80, v6, vm0, $0xb8;
	[tilespmem:$0x1A780] =	vst v63  }
0x87: {  	s20 =	simm.s32 $0x12180  }
0x88: {  	[tilespmem:s20], [sflag:$0x1] =	stream.indirect_vreg.gather [hbm4b:s7+s3], $0x80, v6, vm0, $0xb8;
	[tilespmem:$0x1A780] =	vst v63  }
0x89: {  	s4 =	simm.s32 $0x12980  }
0x8a: {  	[tilespmem:s4], [sflag:$0x1] =	stream.indirect_vreg.gather [hbm4b:s1+s3], $0x80, v5, vm0, $0xb8;
	[tilespmem:$0x1A780] =	vst v63  }
0x8b: {  	s5 =	simm.s32 $0x13180  }
0x8c: {  	[tilespmem:s5], [sflag:$0x1] =	stream.indirect_vreg.gather [hbm4b:s6+s3], $0x80, v5, vm0, $0xb8;
	[tilespmem:$0x1A780] =	vst v63  }
0x8d: {  	s8 =	simm.s32 $0x13980  }
0x8e: {  	[tilespmem:s8], [sflag:$0x1] =	stream.indirect_vreg.gather [hbm4b:s7+s3], $0x80, v5, vm0, $0xb8;
	[tilespmem:$0x1A780] =	vst v63  }
0x8f: {  	v5 =	vld [tilespmem:$0x20E0];
	_ =	sdelay $0x4  }
0x90: {  	v6 =	vshrl.u32 v5, $0x3  }
0x91: {  	v6 =	vmul.u32 $0x30, v6  }
0x92: {  	v5 =	vand.u32 $0x7, v5  }
0x93: {  	v5 =	vor.u32 v5, v6  }
0x94: {  	v6 =	vperm.xlane v5, v2;
	_ =	sdelay $0x1  }
0x95: {  	v6 =	vadd.s32 v3, v6;
	_ =	sdelay $0x3  }
0x96: {  	s9 =	simm.s32 $0x14180;
	v5 =	vperm.xlane v5, v4  }
0x97: {  	[tilespmem:s9], [sflag:$0x1] =	stream.indirect_vreg.gather [hbm4b:s1+s3], $0x80, v6, vm0, $0xb8;
	[tilespmem:$0x1A780] =	vst v63  }
0x98: {  	v5 =	vadd.s32 v3, v5  }
0x99: {  	[tilespmem:s11], [sflag:$0x1] =	stream.indirect_vreg.gather [hbm4b:s6+s3], $0x80, v6, vm0, $0xb8;
	[tilespmem:$0x1A780] =	vst v63  }
0x9a: {  	_ = 	snop  }
0x9b: {  	[tilespmem:s12], [sflag:$0x1] =	stream.indirect_vreg.gather [hbm4b:s7+s3], $0x80, v6, vm0, $0xb8;
	[tilespmem:$0x1A780] =	vst v63  }
0x9c: {  	_ = 	snop  }
0x9d: {  	[tilespmem:s13], [sflag:$0x1] =	stream.indirect_vreg.gather [hbm4b:s1+s3], $0x80, v5, vm0, $0xb8;
	[tilespmem:$0x1A780] =	vst v63  }
0x9e: {  	_ = 	snop  }
0x9f: {  	[tilespmem:s14], [sflag:$0x1] =	stream.indirect_vreg.gather [hbm4b:s6+s3], $0x80, v5, vm0, $0xb8;
	[tilespmem:$0x1A780] =	vst v63  }
0xa0: {  	_ = 	snop  }
0xa1: {  	[tilespmem:s26], [sflag:$0x1] =	stream.indirect_vreg.gather [hbm4b:s7+s3], $0x80, v5, vm0, $0xb8;
	[tilespmem:$0x1A780] =	vst v63  }
0xa2: {  	v5 =	vld [tilespmem:$0x20F0];
	_ =	sdelay $0x4  }
0xa3: {  	v6 =	vshrl.u32 v5, $0x3  }
0xa4: {  	v6 =	vmul.u32 $0x30, v6  }
0xa5: {  	v5 =	vand.u32 $0x7, v5  }
0xa6: {  	v5 =	vor.u32 v5, v6  }
0xa7: {  	v6 =	vperm.xlane v5, v2;
	_ =	sdelay $0x1  }
0xa8: {  	v6 =	vadd.s32 v3, v6;
	_ =	sdelay $0x3  }
0xa9: {  	v5 =	vperm.xlane v5, v4  }
0xaa: {  	[tilespmem:s15], [sflag:$0x1] =	stream.indirect_vreg.gather [hbm4b:s1+s3], $0x80, v6, vm0, $0xb8;
	[tilespmem:$0x1A780] =	vst v63  }
0xab: {  	v5 =	vadd.s32 v3, v5  }
0xac: {  	[tilespmem:s28], [sflag:$0x1] =	stream.indirect_vreg.gather [hbm4b:s6+s3], $0x80, v6, vm0, $0xb8;
	[tilespmem:$0x1A780] =	vst v63  }
0xad: {  	_ = 	snop  }
0xae: {  	[tilespmem:s16], [sflag:$0x1] =	stream.indirect_vreg.gather [hbm4b:s7+s3], $0x80, v6, vm0, $0xb8;
	[tilespmem:$0x1A780] =	vst v63  }
0xaf: {  	_ = 	snop  }
0xb0: {  	[tilespmem:s29], [sflag:$0x1] =	stream.indirect_vreg.gather [hbm4b:s1+s3], $0x80, v5, vm0, $0xb8;
	[tilespmem:$0x1A780] =	vst v63  }
0xb1: {  	_ = 	snop  }
0xb2: {  	[tilespmem:s30], [sflag:$0x1] =	stream.indirect_vreg.gather [hbm4b:s6+s3], $0x80, v5, vm0, $0xb8;
	[tilespmem:$0x1A780] =	vst v63  }
0xb3: {  	_ = 	snop  }
0xb4: {  	[tilespmem:s31], [sflag:$0x1] =	stream.indirect_vreg.gather [hbm4b:s7+s3], $0x80, v5, vm0, $0xb8;
	[tilespmem:$0x1A780] =	vst v63  }
0xb5: {  	_ =	swait.ge [sflag:s19], $0x18000  }
0xb6: {  	[sflag:s19] =	ssyncset.done $0x0  }
0xb7: {  	s10 =	rddreg [dreg:$0xb];
	[sflag:s19] =	ssyncadd.s32 $0xFFFE8000  }
0xb8: {  	[hbm4b:s10+s3] =	stream.linear.scatter [tilespmem:s25], [sflag:$0x1], $0x18000, $0x38;
	[tilespmem:$0x1A780] =	vst v63  }
0xb9: {  	_ =	swait.ge [sflag:s19], $0x18000  }
0xba: {  	[sflag:s19] =	ssyncset.done $0x0  }
0xbb: {  	s17 =	rddreg [dreg:$0xc];
	[sflag:s19] =	ssyncadd.s32 $0xFFFE8000  }
0xbc: {  	[hbm4b:s17+s3] =	stream.linear.scatter [tilespmem:s23], [sflag:$0x1], $0x80, $0x38;
	[tilespmem:$0x1A780] =	vst v63  }
0xbd: {  	_ =	swait.ge [sflag:s19], $0x80  }
0xbe: {  	[sflag:s19] =	ssyncset.done $0x0  }
0xbf: {  	s18 =	rddreg [dreg:$0xd];
	[sflag:s19] =	ssyncadd.s32 $0xFFFFFF80  }
0xc0: {  	[hbm4b:s18+s3] =	stream.linear.scatter [tilespmem:s24], [sflag:$0x1], $0x80, $0x38;
	[tilespmem:$0x1A780] =	vst v63  }
0xc1: {  	_ =	swait.ge [sflag:s19], $0x80  }
0xc2: {  	s0 =	sadd.s32 $0x1, s0;
	s20 =	rddreg [dreg:$0xe]  }
0xc3: {  	p0 =	sne.s32 s0, s20  }
.Ltmp1:
0xc4: {  	_ = 	snop;
	(pc) =	sbr.rel @!p0 .LBB2_16-.Ltmp1, $3  }
0xc5: {  	_ =	sdelay $0x1  }
0xc6: {  	[sflag:s19] =	ssyncset.done $0x0  }
0xc7: {  	[sflag:s19] =	ssyncadd.s32 $0xFFFFFF80  }
.LBB2_1:
0xc8: {  	s2 =	rddreg [dreg:$0x4];
	s4 =	simm.s32 $0x80;
	s5 =	simm.s32 $0x400  }
0xc9: {  	[tilespmem:s3], [sflag:$0x1] =	stream.strided.gather [hbm4b:s2+s4], $0x2000, s5, s4, $0x38;
	[tilespmem:$0x1A780] =	vst v63  }
0xca: {  	_ =	swait.ge [sflag:s19], $0x2000  }
0xcb: {  	s20 =	simm.s32 $0x2000;
	[sflag:s19] =	ssyncset.done $0x0  }
0xcc: {  	p0 =	por $0x0, $0x0;
	s18 =	rddreg [dreg:$0x5];
	[sflag:s19] =	ssyncadd.s32 $0xFFFFE000  }
0xcd: {  	[tilespmem:s20], [sflag:$0x1] =	stream.linear.gather [hbm4b:s18+s3], $0x80, $0x38;
	[tilespmem:$0x1A780] =	vst v63  }
.Ltmp2:
0xce: {  	_ =	swait.ge [sflag:s19], $0x80;
	(pc) =	sbr.rel @p0 .LBB2_3-.Ltmp2, $4  }
0xcf: {  	[sflag:s19] =	ssyncset.done $0x0  }
0xd0: {  	[sflag:s19] =	ssyncadd.s32 $0xFFFFFF80  }
0xd1: {  	v5 =	vld [tilespmem:$0x2000]  }
0xd2: {  	s2 =	simm.s32 $0x1;
	s4 =	simm.s32 $0x0;
	s5 =	simm.s32 $0x0;
	v6 =	vld [tilespmem:s3+$0x0]  }
.LBB2_2:
0xd3: {  	p0 =	seq.s32 s2, $0x1FF;
	_ =	sdelay $0x1  }
0xd4: {  	v7 =	vmov s4;
	s4 =	smov.u32 s2;
	_ =	sdelay $0x1  }
.Ltmp3:
0xd5: {  	vm1 =	vge.f32 v6, v5;
	(pc) =	sbr.rel @!p0 .LBB2_2-.Ltmp3, $4  }
0xd6: {  	v6 =	vmpcnt.ones.xlane vm1  }
0xd7: {  	s8 =	simm.s32 $0x1A180  }
0xd8: {  	s5 =	sadd.s32 $0x10, s5;
	[tilespmem:v7+s8+$0x0] =	vst.idx.msk $0x1, v6  }
0xd9: {  	s2 =	sadd.s32 $0x1, s2;
	v6 =	vld [tilespmem:s5+$0x0]  }
.LBB2_3:
0xda: {  	_ =	sdelay $0x1  }
0xdb: {  	v7 =	vmov s4;
	_ =	sdelay $0x1  }
0xdc: {  	vm1 =	vge.f32 v6, v5  }
0xdd: {  	v6 =	vmpcnt.ones.xlane vm1  }
0xde: {  	s2 =	simm.s32 $0x1A180  }
0xdf: {  	[tilespmem:v7+s2+$0x0] =	vst.idx.msk $0x1, v6  }
0xe0: {  	v6 =	vld [tilespmem:s2+$0x0];
	_ =	sdelay $0x4  }
0xe1: {  	vm1 =	vgt.s32 v6, $0x0  }
0xe2: {  	(xrf0) =	vadd.scan.msk.s32 $0xffff, v6;
	v7 =	vsel vm1, $0x1, v1  }
0xe3: {  	(xrf0) =	vadd.scan.msk.s32 $0xffff, v7;
	_ =	sdelay $0x4  }
0xe4: {  	v7, _, _ =	vpop (xrf0)  }
0xe5: {  	(v2sf) =	vpush v7, $0xF;
	v8, _, _ =	vpop (xrf0)  }
0xe6: {  	(v2sf) =	vpush v8, $0xF;
	_ =	sdelay $0xd  }
0xe7: {  	s8 =	spop (v2sf)  }
0xe8: {  	s10 =	spop (v2sf)  }
0xe9: {  	s9 =	simm.s32 $0x0;
	p1 =	slt.s32 s10, $0x1  }
0xea: {  	v9 =	vmov @!p1 s9  }
0xeb: {  	v9 =	vadd.s32 @!p1 $0xFFFFFFFF, v9  }
0xec: {  	v10 =	vsub.s32 s9, v6;
	v9 =	vbroadcast @!p1 v9, $0x0  }
0xed: {  	s4 =	simm.s32 $0x1A380;
	v7 =	vadd.s32 v7, v10;
	vm1 =	vgt.s32 @!p1 v6, $0x0  }
0xee: {  	[tilespmem:s4+$0x0] =	vst v7;
	v7 =	vadd.s32 @!p1 v8, v9;
	_ =	sdelay $0x1  }
0xef: {  	s5 =	simm.s32 $0x10;
	v10 =	vlaneseq.u32 @!p1  }
0xf0: {  	s17 =	sadd.s32 $0x0, s8;
	s8 =	sadd.s32 $0x0, s10;
	s10 =	simm.s32 @!p1 $0x1A580;
	v6 =	vor.u32 @!p1 s9, v10  }
.LBB2_4:
0xf1: {  	s9 =	smov.u32 s8;
	s2 =	sadd.s32 $0x10, s2;
	s4 =	sadd.s32 $0x10, s4  }
0xf2: {  	s20 =	smov.u32 s8;
	[tilespmem:v7+s10+$0x0] =	vst.idx.msk @!p1 vm1, v6;
	s10 =	smov.u32 s5;
	s5 =	sadd.s32 $0x10, s5  }
0xf3: {  	v6 =	vld [tilespmem:s2+$0x0];
	p0 =	seq.s32 s5, $0x200;
	_ =	sdelay $0x4  }
0xf4: {  	vm1 =	vgt.s32 v6, $0x0;
	(xrf0) =	vadd.scan.msk.s32 $0xffff, v6  }
0xf5: {  	v7 =	vsel vm1, $0x1, v1  }
0xf6: {  	(xrf0) =	vadd.scan.msk.s32 $0xffff, v7;
	_ =	sdelay $0x3  }
0xf7: {  	v10 =	vsub.s32 s17, v6;
	v8, _, _ =	vpop (xrf0)  }
0xf8: {  	v9 =	vadd.s32 v8, v10;
	(v2sf) =	vpush v8, $0xF  }
0xf9: {  	[tilespmem:s4+$0x0] =	vst v9;
	v7, _, _ =	vpop (xrf0)  }
0xfa: {  	(v2sf) =	vpush v7, $0xF;
	_ =	sdelay $0xc  }
0xfb: {  	s18 =	spop (v2sf)  }
0xfc: {  	s17 =	sadd.s32 s17, s18  }
0xfd: {  	s18 =	spop (v2sf)  }
0xfe: {  	p1 =	slt.s32 s18, $0x1;
	s8 =	sadd.s32 s8, s18  }
0xff: {  	vm1 =	vgt.s32 @!p1 v6, $0x0;
	v6 =	vmov @!p1 s20;
	v8 =	vlaneseq.u32 @!p1  }
0x100: {  	v9 =	vadd.s32 @!p1 $0xFFFFFFFF, v6;
	v6 =	vor.u32 @!p1 s10, v8  }
0x101: {  	v8 =	vbroadcast @!p1 v9, $0x0;
	_ =	sdelay $0x1  }
.Ltmp4:
0x102: {  	v7 =	vadd.s32 @!p1 v7, v8;
	(pc) =	sbr.rel @!p0 .LBB2_4-.Ltmp4, $2  }
0x103: {  	_ =	sdelay $0x2  }
0x104: {  	s10 =	simm.s32 @!p1 $0x1A580  }
0x105: {  	p0 =	slt.s32 s8, $0x1  }
.Ltmp5:
0x106: {  	_ = 	snop;
	(pc) =	sbr.rel @p0 .LBB2_8-.Ltmp5, $2  }
0x107: {  	_ =	sdelay $0x2  }
0x108: {  	[tilespmem:v7+s10+$0x0] =	vst.idx.msk @!p1 vm1, v6  }
0x109: {  	s2 =	sadd.s32 s9, s18;
	s4 =	simm.s32 $0x0  }
.LBB2_7:
0x10a: {  	v6 =	vmov s4;
	_ =	sdelay $0x4  }
0x10b: {  	v6 =	vld.idx.msk [tilespmem:v6+s21+$0x0], $0xffff;
	_ =	sdelay $0x4  }
0x10c: {  	v7 =	vshll.u32 v6, $0x4  }
0x10d: {  	v7 =	vor.u32 v0, v7;
	_ =	sdelay $0x4  }
0x10e: {  	v8 =	vld.idx.msk [tilespmem:v7+s3+$0x0], $0xffff;
	_ =	sdelay $0x4  }
0x10f: {  	vm1 =	vge.f32 v8, v5  }
0x110: {  	v9 =	vsel vm1, $0x1, v1  }
0x111: {  	(xrf0) =	vadd.scan.msk.s32 $0xffff, v9;
	_ =	sdelay $0x1  }
0x112: {  	v6 =	vld.idx.msk [tilespmem:v6+s22+$0x0], $0xffff;
	_ =	sdelay $0x3  }
0x113: {  	v9, _, _ =	vpop (xrf0)  }
0x114: {  	v6 =	vadd.s32 v9, v6  }
0x115: {  	v6 =	vadd.s32 $0xFFFFFFFF, v6  }
0x116: {  	vm2 =	vlt.s32 v6, $0x80  }
0x117: {  	vm1 =	vmand vm1, vm2  }
0x118: {  	s4 =	sadd.s32 $0x1, s4  }
0x119: {  	p0 =	sne.s32 s2, s4  }
.Ltmp6:
0x11a: {  	_ = 	snop;
	(pc) =	sbr.rel @p0 .LBB2_7-.Ltmp6, $3  }
0x11b: {  	_ =	sdelay $0x1  }
0x11c: {  	[tilespmem:v6+s23+$0x0] =	vst.idx.msk vm1, v7  }
0x11d: {  	[tilespmem:v6+s24+$0x0] =	vst.idx.msk vm1, v8  }
.LBB2_8:
0x11e: {  	v5 =	vld [tilespmem:$0x2080];
	_ =	sdelay $0x4  }
0x11f: {  	v6 =	vshrl.u32 v5, $0x3  }
0x120: {  	v6 =	vmul.u32 $0x30, v6  }
0x121: {  	v5 =	vand.u32 $0x7, v5  }
0x122: {  	v5 =	vor.u32 v5, v6  }
0x123: {  	v6 =	vperm.xlane v5, v2;
	_ =	sdelay $0x1  }
0x124: {  	v6 =	vadd.s32 v3, v6;
	_ =	sdelay $0x3  }
0x125: {  	s2 =	simm.s32 $0x0;
	v5 =	vperm.xlane v5, v4  }
0x126: {  	[tilespmem:s25], [sflag:$0x1] =	stream.indirect_vreg.gather [hbm4b:s1+s2], $0x80, v6, vm0, $0xb8;
	[tilespmem:$0x1A780] =	vst v63  }
0x127: {  	s4 =	simm.s32 $0x2980;
	v5 =	vadd.s32 v3, v5  }
0x128: {  	[tilespmem:s4], [sflag:$0x1] =	stream.indirect_vreg.gather [hbm4b:s6+s2], $0x80, v6, vm0, $0xb8;
	[tilespmem:$0x1A780] =	vst v63  }
0x129: {  	s8 =	simm.s32 $0x3180  }
0x12a: {  	[tilespmem:s8], [sflag:$0x1] =	stream.indirect_vreg.gather [hbm4b:s7+s2], $0x80, v6, vm0, $0xb8;
	[tilespmem:$0x1A780] =	vst v63  }
0x12b: {  	s9 =	simm.s32 $0x3980  }
0x12c: {  	[tilespmem:s9], [sflag:$0x1] =	stream.indirect_vreg.gather [hbm4b:s1+s2], $0x80, v5, vm0, $0xb8;
	[tilespmem:$0x1A780] =	vst v63  }
0x12d: {  	s10 =	simm.s32 $0x4180  }
0x12e: {  	[tilespmem:s10], [sflag:$0x1] =	stream.indirect_vreg.gather [hbm4b:s6+s2], $0x80, v5, vm0, $0xb8;
	[tilespmem:$0x1A780] =	vst v63  }
0x12f: {  	s17 =	simm.s32 $0x4980  }
0x130: {  	[tilespmem:s17], [sflag:$0x1] =	stream.indirect_vreg.gather [hbm4b:s7+s2], $0x80, v5, vm0, $0xb8;
	[tilespmem:$0x1A780] =	vst v63  }
0x131: {  	v5 =	vld [tilespmem:$0x2090];
	_ =	sdelay $0x4  }
0x132: {  	v6 =	vshrl.u32 v5, $0x3  }
0x133: {  	v6 =	vmul.u32 $0x30, v6  }
0x134: {  	v5 =	vand.u32 $0x7, v5  }
0x135: {  	v5 =	vor.u32 v5, v6  }
0x136: {  	v6 =	vperm.xlane v5, v2;
	_ =	sdelay $0x1  }
0x137: {  	v6 =	vadd.s32 v3, v6;
	_ =	sdelay $0x3  }
0x138: {  	s18 =	simm.s32 $0x5180;
	v5 =	vperm.xlane v5, v4  }
0x139: {  	[tilespmem:s18], [sflag:$0x1] =	stream.indirect_vreg.gather [hbm4b:s1+s2], $0x80, v6, vm0, $0xb8;
	[tilespmem:$0x1A780] =	vst v63  }
0x13a: {  	s20 =	simm.s32 $0x5980;
	v5 =	vadd.s32 v3, v5  }
0x13b: {  	[tilespmem:s20], [sflag:$0x1] =	stream.indirect_vreg.gather [hbm4b:s6+s2], $0x80, v6, vm0, $0xb8;
	[tilespmem:$0x1A780] =	vst v63  }
0x13c: {  	s5 =	simm.s32 $0x6180  }
0x13d: {  	[tilespmem:s5], [sflag:$0x1] =	stream.indirect_vreg.gather [hbm4b:s7+s2], $0x80, v6, vm0, $0xb8;
	[tilespmem:$0x1A780] =	vst v63  }
0x13e: {  	s8 =	simm.s32 $0x6980  }
0x13f: {  	[tilespmem:s8], [sflag:$0x1] =	stream.indirect_vreg.gather [hbm4b:s1+s2], $0x80, v5, vm0, $0xb8;
	[tilespmem:$0x1A780] =	vst v63  }
0x140: {  	s9 =	simm.s32 $0x7180  }
0x141: {  	[tilespmem:s9], [sflag:$0x1] =	stream.indirect_vreg.gather [hbm4b:s6+s2], $0x80, v5, vm0, $0xb8;
	[tilespmem:$0x1A780] =	vst v63  }
0x142: {  	s10 =	simm.s32 $0x7980  }
0x143: {  	[tilespmem:s10], [sflag:$0x1] =	stream.indirect_vreg.gather [hbm4b:s7+s2], $0x80, v5, vm0, $0xb8;
	[tilespmem:$0x1A780] =	vst v63  }
0x144: {  	v5 =	vld [tilespmem:$0x20A0];
	_ =	sdelay $0x4  }
0x145: {  	v6 =	vshrl.u32 v5, $0x3  }
0x146: {  	v6 =	vmul.u32 $0x30, v6  }
0x147: {  	v5 =	vand.u32 $0x7, v5  }
0x148: {  	v5 =	vor.u32 v5, v6  }
0x149: {  	v6 =	vperm.xlane v5, v2;
	_ =	sdelay $0x1  }
0x14a: {  	v6 =	vadd.s32 v3, v6;
	_ =	sdelay $0x3  }
0x14b: {  	s17 =	simm.s32 $0x8180;
	v5 =	vperm.xlane v5, v4  }
0x14c: {  	[tilespmem:s17], [sflag:$0x1] =	stream.indirect_vreg.gather [hbm4b:s1+s2], $0x80, v6, vm0, $0xb8;
	[tilespmem:$0x1A780] =	vst v63  }
0x14d: {  	s18 =	simm.s32 $0x8980;
	v5 =	vadd.s32 v3, v5  }
0x14e: {  	[tilespmem:s18], [sflag:$0x1] =	stream.indirect_vreg.gather [hbm4b:s6+s2], $0x80, v6, vm0, $0xb8;
	[tilespmem:$0x1A780] =	vst v63  }
0x14f: {  	s20 =	simm.s32 $0x9180  }
0x150: {  	[tilespmem:s20], [sflag:$0x1] =	stream.indirect_vreg.gather [hbm4b:s7+s2], $0x80, v6, vm0, $0xb8;
	[tilespmem:$0x1A780] =	vst v63  }
0x151: {  	s5 =	simm.s32 $0x9980  }
0x152: {  	[tilespmem:s5], [sflag:$0x1] =	stream.indirect_vreg.gather [hbm4b:s1+s2], $0x80, v5, vm0, $0xb8;
	[tilespmem:$0x1A780] =	vst v63  }
0x153: {  	s8 =	simm.s32 $0xA180  }
0x154: {  	[tilespmem:s8], [sflag:$0x1] =	stream.indirect_vreg.gather [hbm4b:s6+s2], $0x80, v5, vm0, $0xb8;
	[tilespmem:$0x1A780] =	vst v63  }
0x155: {  	s9 =	simm.s32 $0xA980  }
0x156: {  	[tilespmem:s9], [sflag:$0x1] =	stream.indirect_vreg.gather [hbm4b:s7+s2], $0x80, v5, vm0, $0xb8;
	[tilespmem:$0x1A780] =	vst v63  }
0x157: {  	v5 =	vld [tilespmem:$0x20B0];
	_ =	sdelay $0x4  }
0x158: {  	v6 =	vshrl.u32 v5, $0x3  }
0x159: {  	v6 =	vmul.u32 $0x30, v6  }
0x15a: {  	v5 =	vand.u32 $0x7, v5  }
0x15b: {  	v5 =	vor.u32 v5, v6  }
0x15c: {  	v6 =	vperm.xlane v5, v2;
	_ =	sdelay $0x1  }
0x15d: {  	v6 =	vadd.s32 v3, v6;
	_ =	sdelay $0x3  }
0x15e: {  	s10 =	simm.s32 $0xB180;
	v5 =	vperm.xlane v5, v4  }
0x15f: {  	[tilespmem:s10], [sflag:$0x1] =	stream.indirect_vreg.gather [hbm4b:s1+s2], $0x80, v6, vm0, $0xb8;
	[tilespmem:$0x1A780] =	vst v63  }
0x160: {  	s17 =	simm.s32 $0xB980;
	v5 =	vadd.s32 v3, v5  }
0x161: {  	[tilespmem:s17], [sflag:$0x1] =	stream.indirect_vreg.gather [hbm4b:s6+s2], $0x80, v6, vm0, $0xb8;
	[tilespmem:$0x1A780] =	vst v63  }
0x162: {  	s18 =	simm.s32 $0xC180  }
0x163: {  	[tilespmem:s18], [sflag:$0x1] =	stream.indirect_vreg.gather [hbm4b:s7+s2], $0x80, v6, vm0, $0xb8;
	[tilespmem:$0x1A780] =	vst v63  }
0x164: {  	s20 =	simm.s32 $0xC980  }
0x165: {  	[tilespmem:s20], [sflag:$0x1] =	stream.indirect_vreg.gather [hbm4b:s1+s2], $0x80, v5, vm0, $0xb8;
	[tilespmem:$0x1A780] =	vst v63  }
0x166: {  	s5 =	simm.s32 $0xD180  }
0x167: {  	[tilespmem:s5], [sflag:$0x1] =	stream.indirect_vreg.gather [hbm4b:s6+s2], $0x80, v5, vm0, $0xb8;
	[tilespmem:$0x1A780] =	vst v63  }
0x168: {  	s8 =	simm.s32 $0xD980  }
0x169: {  	[tilespmem:s8], [sflag:$0x1] =	stream.indirect_vreg.gather [hbm4b:s7+s2], $0x80, v5, vm0, $0xb8;
	[tilespmem:$0x1A780] =	vst v63  }
0x16a: {  	v5 =	vld [tilespmem:$0x20C0];
	_ =	sdelay $0x4  }
0x16b: {  	v6 =	vshrl.u32 v5, $0x3  }
0x16c: {  	v6 =	vmul.u32 $0x30, v6  }
0x16d: {  	v5 =	vand.u32 $0x7, v5  }
0x16e: {  	v5 =	vor.u32 v5, v6  }
0x16f: {  	v6 =	vperm.xlane v5, v2;
	_ =	sdelay $0x1  }
0x170: {  	v6 =	vadd.s32 v3, v6;
	_ =	sdelay $0x3  }
0x171: {  	s9 =	simm.s32 $0xE180;
	v5 =	vperm.xlane v5, v4  }
0x172: {  	[tilespmem:s9], [sflag:$0x1] =	stream.indirect_vreg.gather [hbm4b:s1+s2], $0x80, v6, vm0, $0xb8;
	[tilespmem:$0x1A780] =	vst v63  }
0x173: {  	s10 =	simm.s32 $0xE980;
	v5 =	vadd.s32 v3, v5  }
0x174: {  	[tilespmem:s10], [sflag:$0x1] =	stream.indirect_vreg.gather [hbm4b:s6+s2], $0x80, v6, vm0, $0xb8;
	[tilespmem:$0x1A780] =	vst v63  }
0x175: {  	s17 =	simm.s32 $0xF180  }
0x176: {  	[tilespmem:s17], [sflag:$0x1] =	stream.indirect_vreg.gather [hbm4b:s7+s2], $0x80, v6, vm0, $0xb8;
	[tilespmem:$0x1A780] =	vst v63  }
0x177: {  	s18 =	simm.s32 $0xF980  }
0x178: {  	[tilespmem:s18], [sflag:$0x1] =	stream.indirect_vreg.gather [hbm4b:s1+s2], $0x80, v5, vm0, $0xb8;
	[tilespmem:$0x1A780] =	vst v63  }
0x179: {  	s20 =	simm.s32 $0x10180  }
0x17a: {  	[tilespmem:s20], [sflag:$0x1] =	stream.indirect_vreg.gather [hbm4b:s6+s2], $0x80, v5, vm0, $0xb8;
	[tilespmem:$0x1A780] =	vst v63  }
0x17b: {  	s5 =	simm.s32 $0x10980  }
0x17c: {  	[tilespmem:s5], [sflag:$0x1] =	stream.indirect_vreg.gather [hbm4b:s7+s2], $0x80, v5, vm0, $0xb8;
	[tilespmem:$0x1A780] =	vst v63  }
0x17d: {  	v5 =	vld [tilespmem:$0x20D0];
	_ =	sdelay $0x4  }
0x17e: {  	v6 =	vshrl.u32 v5, $0x3  }
0x17f: {  	v6 =	vmul.u32 $0x30, v6  }
0x180: {  	v5 =	vand.u32 $0x7, v5  }
0x181: {  	v5 =	vor.u32 v5, v6  }
0x182: {  	v6 =	vperm.xlane v5, v2;
	_ =	sdelay $0x1  }
0x183: {  	v6 =	vadd.s32 v3, v6;
	_ =	sdelay $0x3  }
0x184: {  	s8 =	simm.s32 $0x11180;
	v5 =	vperm.xlane v5, v4  }
0x185: {  	[tilespmem:s8], [sflag:$0x1] =	stream.indirect_vreg.gather [hbm4b:s1+s2], $0x80, v6, vm0, $0xb8;
	[tilespmem:$0x1A780] =	vst v63  }
0x186: {  	s9 =	simm.s32 $0x11980;
	v5 =	vadd.s32 v3, v5  }
0x187: {  	[tilespmem:s9], [sflag:$0x1] =	stream.indirect_vreg.gather [hbm4b:s6+s2], $0x80, v6, vm0, $0xb8;
	[tilespmem:$0x1A780] =	vst v63  }
0x188: {  	s10 =	simm.s32 $0x12180  }
0x189: {  	[tilespmem:s10], [sflag:$0x1] =	stream.indirect_vreg.gather [hbm4b:s7+s2], $0x80, v6, vm0, $0xb8;
	[tilespmem:$0x1A780] =	vst v63  }
0x18a: {  	s17 =	simm.s32 $0x12980  }
0x18b: {  	[tilespmem:s17], [sflag:$0x1] =	stream.indirect_vreg.gather [hbm4b:s1+s2], $0x80, v5, vm0, $0xb8;
	[tilespmem:$0x1A780] =	vst v63  }
0x18c: {  	s18 =	simm.s32 $0x13180  }
0x18d: {  	[tilespmem:s18], [sflag:$0x1] =	stream.indirect_vreg.gather [hbm4b:s6+s2], $0x80, v5, vm0, $0xb8;
	[tilespmem:$0x1A780] =	vst v63  }
0x18e: {  	s20 =	simm.s32 $0x13980  }
0x18f: {  	[tilespmem:s20], [sflag:$0x1] =	stream.indirect_vreg.gather [hbm4b:s7+s2], $0x80, v5, vm0, $0xb8;
	[tilespmem:$0x1A780] =	vst v63  }
0x190: {  	v5 =	vld [tilespmem:$0x20E0];
	_ =	sdelay $0x4  }
0x191: {  	v6 =	vshrl.u32 v5, $0x3  }
0x192: {  	v6 =	vmul.u32 $0x30, v6  }
0x193: {  	v5 =	vand.u32 $0x7, v5  }
0x194: {  	v5 =	vor.u32 v5, v6  }
0x195: {  	v6 =	vperm.xlane v5, v2;
	_ =	sdelay $0x1  }
0x196: {  	v6 =	vadd.s32 v3, v6;
	_ =	sdelay $0x3  }
0x197: {  	s5 =	simm.s32 $0x14180;
	v5 =	vperm.xlane v5, v4  }
0x198: {  	[tilespmem:s5], [sflag:$0x1] =	stream.indirect_vreg.gather [hbm4b:s1+s2], $0x80, v6, vm0, $0xb8;
	[tilespmem:$0x1A780] =	vst v63  }
0x199: {  	v5 =	vadd.s32 v3, v5  }
0x19a: {  	[tilespmem:s11], [sflag:$0x1] =	stream.indirect_vreg.gather [hbm4b:s6+s2], $0x80, v6, vm0, $0xb8;
	[tilespmem:$0x1A780] =	vst v63  }
0x19b: {  	_ = 	snop  }
0x19c: {  	[tilespmem:s12], [sflag:$0x1] =	stream.indirect_vreg.gather [hbm4b:s7+s2], $0x80, v6, vm0, $0xb8;
	[tilespmem:$0x1A780] =	vst v63  }
0x19d: {  	_ = 	snop  }
0x19e: {  	[tilespmem:s13], [sflag:$0x1] =	stream.indirect_vreg.gather [hbm4b:s1+s2], $0x80, v5, vm0, $0xb8;
	[tilespmem:$0x1A780] =	vst v63  }
0x19f: {  	_ = 	snop  }
0x1a0: {  	[tilespmem:s14], [sflag:$0x1] =	stream.indirect_vreg.gather [hbm4b:s6+s2], $0x80, v5, vm0, $0xb8;
	[tilespmem:$0x1A780] =	vst v63  }
0x1a1: {  	_ = 	snop  }
0x1a2: {  	[tilespmem:s26], [sflag:$0x1] =	stream.indirect_vreg.gather [hbm4b:s7+s2], $0x80, v5, vm0, $0xb8;
	[tilespmem:$0x1A780] =	vst v63  }
0x1a3: {  	v5 =	vld [tilespmem:$0x20F0];
	_ =	sdelay $0x4  }
0x1a4: {  	v6 =	vshrl.u32 v5, $0x3  }
0x1a5: {  	v6 =	vmul.u32 $0x30, v6  }
0x1a6: {  	v5 =	vand.u32 $0x7, v5  }
0x1a7: {  	v5 =	vor.u32 v5, v6  }
0x1a8: {  	v6 =	vperm.xlane v5, v2;
	_ =	sdelay $0x1  }
0x1a9: {  	v6 =	vadd.s32 v3, v6;
	_ =	sdelay $0x3  }
0x1aa: {  	v5 =	vperm.xlane v5, v4  }
0x1ab: {  	[tilespmem:s15], [sflag:$0x1] =	stream.indirect_vreg.gather [hbm4b:s1+s2], $0x80, v6, vm0, $0xb8;
	[tilespmem:$0x1A780] =	vst v63  }
0x1ac: {  	v5 =	vadd.s32 v3, v5  }
0x1ad: {  	[tilespmem:s28], [sflag:$0x1] =	stream.indirect_vreg.gather [hbm4b:s6+s2], $0x80, v6, vm0, $0xb8;
	[tilespmem:$0x1A780] =	vst v63  }
0x1ae: {  	_ = 	snop  }
0x1af: {  	[tilespmem:s16], [sflag:$0x1] =	stream.indirect_vreg.gather [hbm4b:s7+s2], $0x80, v6, vm0, $0xb8;
	[tilespmem:$0x1A780] =	vst v63  }
0x1b0: {  	_ = 	snop  }
0x1b1: {  	[tilespmem:s29], [sflag:$0x1] =	stream.indirect_vreg.gather [hbm4b:s1+s2], $0x80, v5, vm0, $0xb8;
	[tilespmem:$0x1A780] =	vst v63  }
0x1b2: {  	_ = 	snop  }
0x1b3: {  	[tilespmem:s30], [sflag:$0x1] =	stream.indirect_vreg.gather [hbm4b:s6+s2], $0x80, v5, vm0, $0xb8;
	[tilespmem:$0x1A780] =	vst v63  }
0x1b4: {  	_ = 	snop  }
0x1b5: {  	[tilespmem:s31], [sflag:$0x1] =	stream.indirect_vreg.gather [hbm4b:s7+s2], $0x80, v5, vm0, $0xb8;
	[tilespmem:$0x1A780] =	vst v63  }
0x1b6: {  	_ =	swait.ge [sflag:s19], $0x18000  }
0x1b7: {  	[sflag:s19] =	ssyncset.done $0x0  }
0x1b8: {  	s8 =	rddreg [dreg:$0x6];
	[sflag:s19] =	ssyncadd.s32 $0xFFFE8000  }
0x1b9: {  	[hbm4b:s8+s2] =	stream.linear.scatter [tilespmem:s25], [sflag:$0x1], $0x18000, $0x38;
	[tilespmem:$0x1A780] =	vst v63  }
0x1ba: {  	_ =	swait.ge [sflag:s19], $0x18000  }
0x1bb: {  	[sflag:s19] =	ssyncset.done $0x0  }
0x1bc: {  	s9 =	rddreg [dreg:$0x7];
	[sflag:s19] =	ssyncadd.s32 $0xFFFE8000  }
0x1bd: {  	[hbm4b:s9+s2] =	stream.linear.scatter [tilespmem:s23], [sflag:$0x1], $0x80, $0x38;
	[tilespmem:$0x1A780] =	vst v63  }
0x1be: {  	_ =	swait.ge [sflag:s19], $0x80  }
0x1bf: {  	[sflag:s19] =	ssyncset.done $0x0  }
0x1c0: {  	s10 =	rddreg [dreg:$0x8];
	[sflag:s19] =	ssyncadd.s32 $0xFFFFFF80  }
0x1c1: {  	[hbm4b:s10+s2] =	stream.linear.scatter [tilespmem:s24], [sflag:$0x1], $0x80, $0x38;
	[tilespmem:$0x1A780] =	vst v63  }
0x1c2: {  	_ =	swait.ge [sflag:s19], $0x80  }
0x1c3: {  	s5 =	simm.s32 $0x80;
	[sflag:s19] =	ssyncset.done $0x0  }
0x1c4: {  	s8 =	simm.s32 $0x400;
	s17 =	rddreg [dreg:$0x9];
	[sflag:s19] =	ssyncadd.s32 $0xFFFFFF80  }
0x1c5: {  	[tilespmem:s2], [sflag:$0x1] =	stream.strided.gather [hbm4b:s17+s5], $0x2000, s8, s5, $0x38;
	[tilespmem:$0x1A780] =	vst v63  }
0x1c6: {  	_ =	swait.ge [sflag:s19], $0x2000  }
0x1c7: {  	p0 =	por $0x0, $0x0;
	[sflag:s19] =	ssyncset.done $0x0  }
0x1c8: {  	s20 =	simm.s32 $0x2000;
	s18 =	rddreg [dreg:$0xa];
	[sflag:s19] =	ssyncadd.s32 $0xFFFFE000  }
0x1c9: {  	[tilespmem:s20], [sflag:$0x1] =	stream.linear.gather [hbm4b:s18+s2], $0x80, $0x38;
	[tilespmem:$0x1A780] =	vst v63  }
.Ltmp7:
0x1ca: {  	_ =	swait.ge [sflag:s19], $0x80;
	(pc) =	sbr.rel @p0 .LBB2_10-.Ltmp7, $4  }
0x1cb: {  	[sflag:s19] =	ssyncset.done $0x0  }
0x1cc: {  	[sflag:s19] =	ssyncadd.s32 $0xFFFFFF80  }
0x1cd: {  	v5 =	vld [tilespmem:$0x2000]  }
0x1ce: {  	s4 =	simm.s32 $0x1;
	s5 =	simm.s32 $0x0;
	s8 =	simm.s32 $0x0;
	v6 =	vld [tilespmem:s2+$0x0]  }
.LBB2_9:
0x1cf: {  	p0 =	seq.s32 s4, $0x1FF;
	_ =	sdelay $0x1  }
0x1d0: {  	v7 =	vmov s5;
	s5 =	smov.u32 s4;
	_ =	sdelay $0x1  }
.Ltmp8:
0x1d1: {  	vm1 =	vge.f32 v6, v5;
	(pc) =	sbr.rel @!p0 .LBB2_9-.Ltmp8, $4  }
0x1d2: {  	v6 =	vmpcnt.ones.xlane vm1  }
0x1d3: {  	s9 =	simm.s32 $0x1A180  }
0x1d4: {  	s8 =	sadd.s32 $0x10, s8;
	[tilespmem:v7+s9+$0x0] =	vst.idx.msk $0x1, v6  }
0x1d5: {  	s4 =	sadd.s32 $0x1, s4;
	v6 =	vld [tilespmem:s8+$0x0]  }
.LBB2_10:
0x1d6: {  	_ =	sdelay $0x1  }
0x1d7: {  	v7 =	vmov s5;
	_ =	sdelay $0x1  }
0x1d8: {  	vm1 =	vge.f32 v6, v5  }
0x1d9: {  	v6 =	vmpcnt.ones.xlane vm1  }
0x1da: {  	s4 =	simm.s32 $0x1A180  }
0x1db: {  	[tilespmem:v7+s4+$0x0] =	vst.idx.msk $0x1, v6  }
0x1dc: {  	v6 =	vld [tilespmem:s4+$0x0];
	_ =	sdelay $0x4  }
0x1dd: {  	vm1 =	vgt.s32 v6, $0x0  }
0x1de: {  	(xrf0) =	vadd.scan.msk.s32 $0xffff, v6;
	v7 =	vsel vm1, $0x1, v1  }
0x1df: {  	(xrf0) =	vadd.scan.msk.s32 $0xffff, v7;
	_ =	sdelay $0x4  }
0x1e0: {  	v7, _, _ =	vpop (xrf0)  }
0x1e1: {  	(v2sf) =	vpush v7, $0xF;
	v8, _, _ =	vpop (xrf0)  }
0x1e2: {  	(v2sf) =	vpush v8, $0xF;
	_ =	sdelay $0xd  }
0x1e3: {  	s9 =	spop (v2sf)  }
0x1e4: {  	s10 =	spop (v2sf)  }
0x1e5: {  	p1 =	slt.s32 s10, $0x1  }
0x1e6: {  	v9 =	vmov @!p1 s2  }
0x1e7: {  	v9 =	vadd.s32 @!p1 $0xFFFFFFFF, v9  }
0x1e8: {  	v10 =	vsub.s32 s2, v6;
	v9 =	vbroadcast @!p1 v9, $0x0  }
0x1e9: {  	s5 =	simm.s32 $0x1A380;
	v7 =	vadd.s32 v7, v10;
	vm1 =	vgt.s32 @!p1 v6, $0x0  }
0x1ea: {  	[tilespmem:s5+$0x0] =	vst v7;
	v7 =	vadd.s32 @!p1 v8, v9;
	_ =	sdelay $0x1  }
0x1eb: {  	s8 =	simm.s32 $0x10;
	v10 =	vlaneseq.u32 @!p1  }
0x1ec: {  	s17 =	sadd.s32 $0x0, s9;
	s9 =	sadd.s32 $0x0, s10;
	s10 =	simm.s32 @!p1 $0x1A580;
	v6 =	vor.u32 @!p1 s2, v10  }
.LBB2_11:
0x1ed: {  	s2 =	smov.u32 s9;
	s4 =	sadd.s32 $0x10, s4;
	s5 =	sadd.s32 $0x10, s5  }
0x1ee: {  	s20 =	smov.u32 s9;
	[tilespmem:v7+s10+$0x0] =	vst.idx.msk @!p1 vm1, v6;
	s10 =	smov.u32 s8;
	s8 =	sadd.s32 $0x10, s8  }
0x1ef: {  	v6 =	vld [tilespmem:s4+$0x0];
	p0 =	seq.s32 s8, $0x200;
	_ =	sdelay $0x4  }
0x1f0: {  	vm1 =	vgt.s32 v6, $0x0;
	(xrf0) =	vadd.scan.msk.s32 $0xffff, v6  }
0x1f1: {  	v7 =	vsel vm1, $0x1, v1  }
0x1f2: {  	(xrf0) =	vadd.scan.msk.s32 $0xffff, v7;
	_ =	sdelay $0x3  }
0x1f3: {  	v10 =	vsub.s32 s17, v6;
	v8, _, _ =	vpop (xrf0)  }
0x1f4: {  	v9 =	vadd.s32 v8, v10;
	(v2sf) =	vpush v8, $0xF  }
0x1f5: {  	[tilespmem:s5+$0x0] =	vst v9;
	v7, _, _ =	vpop (xrf0)  }
0x1f6: {  	(v2sf) =	vpush v7, $0xF;
	_ =	sdelay $0xc  }
0x1f7: {  	s18 =	spop (v2sf)  }
0x1f8: {  	s17 =	sadd.s32 s17, s18  }
0x1f9: {  	s18 =	spop (v2sf)  }
0x1fa: {  	p1 =	slt.s32 s18, $0x1;
	s9 =	sadd.s32 s9, s18  }
0x1fb: {  	vm1 =	vgt.s32 @!p1 v6, $0x0;
	v6 =	vmov @!p1 s20;
	v8 =	vlaneseq.u32 @!p1  }
0x1fc: {  	v9 =	vadd.s32 @!p1 $0xFFFFFFFF, v6;
	v6 =	vor.u32 @!p1 s10, v8  }
0x1fd: {  	v8 =	vbroadcast @!p1 v9, $0x0;
	_ =	sdelay $0x1  }
.Ltmp9:
0x1fe: {  	v7 =	vadd.s32 @!p1 v7, v8;
	(pc) =	sbr.rel @!p0 .LBB2_11-.Ltmp9, $2  }
0x1ff: {  	_ =	sdelay $0x2  }
0x200: {  	s10 =	simm.s32 @!p1 $0x1A580  }
0x201: {  	p0 =	slt.s32 s9, $0x1  }
.Ltmp10:
0x202: {  	_ = 	snop;
	(pc) =	sbr.rel @p0 .LBB2_15-.Ltmp10, $2  }
0x203: {  	_ =	sdelay $0x2  }
0x204: {  	[tilespmem:v7+s10+$0x0] =	vst.idx.msk @!p1 vm1, v6  }
0x205: {  	s2 =	sadd.s32 s2, s18;
	s4 =	simm.s32 $0x0  }
.LBB2_14:
0x206: {  	v6 =	vmov s4;
	_ =	sdelay $0x4  }
0x207: {  	v6 =	vld.idx.msk [tilespmem:v6+s21+$0x0], $0xffff;
	_ =	sdelay $0x4  }
0x208: {  	v7 =	vshll.u32 v6, $0x4  }
0x209: {  	v7 =	vor.u32 v0, v7;
	_ =	sdelay $0x4  }
0x20a: {  	v8 =	vld.idx.msk [tilespmem:v7+s3+$0x0], $0xffff;
	_ =	sdelay $0x4  }
0x20b: {  	vm1 =	vge.f32 v8, v5  }
0x20c: {  	v9 =	vsel vm1, $0x1, v1  }
0x20d: {  	(xrf0) =	vadd.scan.msk.s32 $0xffff, v9;
	_ =	sdelay $0x1  }
0x20e: {  	v6 =	vld.idx.msk [tilespmem:v6+s22+$0x0], $0xffff;
	_ =	sdelay $0x3  }
0x20f: {  	v9, _, _ =	vpop (xrf0)  }
0x210: {  	v6 =	vadd.s32 v9, v6  }
0x211: {  	v6 =	vadd.s32 $0xFFFFFFFF, v6  }
0x212: {  	vm2 =	vlt.s32 v6, $0x80  }
0x213: {  	vm1 =	vmand vm1, vm2  }
0x214: {  	s4 =	sadd.s32 $0x1, s4  }
0x215: {  	p0 =	sne.s32 s2, s4  }
.Ltmp11:
0x216: {  	_ = 	snop;
	(pc) =	sbr.rel @p0 .LBB2_14-.Ltmp11, $3  }
0x217: {  	_ =	sdelay $0x1  }
0x218: {  	[tilespmem:v6+s23+$0x0] =	vst.idx.msk vm1, v7  }
0x219: {  	[tilespmem:v6+s24+$0x0] =	vst.idx.msk vm1, v8  }
.Ltmp12:
0x21a: {  	_ = 	snop;
	(pc) =	sbr.rel .LBB2_15-.Ltmp12, $1  }
0x21b: {  	_ =	sdelay $0x3  }
.LBB2_16:
0x21c: {  	_ =	sfence.sel $0x180000  }
0x21d: {  	[bflag:$0x0] =	sbarrier.arrive $0xFFFF  }
0x21e: {  	_ =	strace $0x90000047  }
0x21f: {  	s0 =	stileid.u32;
	[bflag:$0x2] =	sbarrier.arrive $0xFFFF  }
0x220: {  	p0 =	sne.s32 s0, $0x0;
	s0 =	rddreg [dreg:$0x3]  }
0x221: {  	s0 =	sadd.s32 @!p0 $0x100000, s0  }
0x222: {  	[sflag:s0] =	ssyncadd.tile.s32 @!p0 $0x1;
	_ =	shalt  }
.Lfunc_end2:
_tile_overlayer_lowered:
.L_overlay_start_2:
0x223: {  	(tag) =	ssettag $0x2  }
0x224: {  	s0 =	rddreg [dreg:$0x0];
	s2 =	stileid.u32  }
0x225: {  	s1 =	rddreg [dreg:$0x1];
	p0 =	sne.s32 s2, $0x0  }
0x226: {  	s3 =	rddreg [dreg:$0x2];
	[bflag:$0x3] =	sbarrier.arrive $0xFFFF;
	s2 =	simm.s32 @!p0 $0x1C01  }
0x227: {  	[timem:s3], [sflag:s2] =	dma.local @!p0 [hbm:s0], s1  }
0x228: {  	s0 =	simm.s32 @!p0 $0x1  }
0x229: {  	_ =	swait.ge @!p0 [sflag:s0], s1  }
0x22a: {  	s1 =	ssub.s32 @!p0 $0x0, s1;
	[sflag:s0] =	ssyncset.done @!p0 $0x0  }
0x22b: {  	[sflag:s0] =	ssyncadd.s32 @!p0 s1  }
0x22c: {  	[bflag:$0x3] =	sbarrier.arrive $0xFFFF  }
0x22d: {  	_ =	shalt  }

</sc_bundles>
